<compile_context>
chip_gen: v7x
topology: tpu7x:2x2x1
jax: 0.10.2.dev20260603
libtpu: 0.0.44.dev20260713+nightly
codegen_flags: <defaults>
</compile_context>

<pallas_src>
import functools

import jax
import jax.numpy as jnp
from jax import lax
from jax.experimental import pallas as pl
from jax.experimental.pallas import tpu as pltpu
from jax.experimental.pallas import tpu_sc as plsc

NUM_CORES = 2
NUM_SUBCORES = 16
LANES = 16
NW = NUM_CORES * NUM_SUBCORES
BATCH = 16384
EMB = 64
B_PER_W = BATCH // NW
IDX_CHUNK = 128


def _svd_body(u_hbm, v_hbm, ue_hbm, ub_hbm, ie_hbm, ib_hbm, mean_hbm,
              out_hbm,
              uidx_v, vidx_v, urows_v, irows_v, ubias_v, ibias_v,
              mean_v, out_v, sem):
    wid = lax.axis_index("s") * NUM_CORES + lax.axis_index("c")
    base = wid * B_PER_W

    pltpu.sync_copy(u_hbm.at[pl.ds(base, B_PER_W)], uidx_v)
    pltpu.sync_copy(v_hbm.at[pl.ds(base, B_PER_W)], vidx_v)
    pltpu.sync_copy(mean_hbm, mean_v)

    c0 = pltpu.async_copy(ue_hbm.at[uidx_v], urows_v, sem)
    c1 = pltpu.async_copy(ie_hbm.at[vidx_v], irows_v, sem)
    c2 = pltpu.async_copy(ub_hbm.at[uidx_v], ubias_v, sem)
    c3 = pltpu.async_copy(ib_hbm.at[vidx_v], ibias_v, sem)
    c0.wait()
    c1.wait()
    c2.wait()
    c3.wait()

    zeros_i = jnp.zeros((LANES,), jnp.int32)
    mean_s = mean_v[...]
    zeros_f = jnp.zeros((LANES,), jnp.float32)
    lane_iota = lax.iota(jnp.int32, LANES)

    def group(g, carry):
        rows = g * LANES + lane_iota
        acc = zeros_f
        for e in range(EMB):
            col = jnp.full((LANES,), e, jnp.int32)
            uu = plsc.load_gather(urows_v, [rows, col])
            ii = plsc.load_gather(irows_v, [rows, col])
            acc = acc + uu * ii
        bu = plsc.load_gather(ubias_v, [rows])
        bi = plsc.load_gather(ibias_v, [rows])
        out_v[pl.ds(g * LANES, LANES)] = acc + bu + bi + mean_s
        return carry

    lax.fori_loop(0, B_PER_W // LANES, group, 0)

    pltpu.sync_copy(out_v, out_hbm.at[pl.ds(base, B_PER_W)])


@jax.jit
def _svd_sc(u, v, user_emb, user_emb_bias, item_emb, item_emb_bias, mean):
    mesh = plsc.VectorSubcoreMesh(core_axis_name="c", subcore_axis_name="s",
                                  num_cores=NUM_CORES,
                                  num_subcores=NUM_SUBCORES)
    run = pl.kernel(
        _svd_body,
        out_type=jax.ShapeDtypeStruct((BATCH,), jnp.float32),
        mesh=mesh,
        compiler_params=pltpu.CompilerParams(needs_layout_passes=False,
                                             use_tc_tiling_on_sc=False),
        scratch_types=[
            pltpu.VMEM((B_PER_W,), jnp.int32),
            pltpu.VMEM((B_PER_W,), jnp.int32),
            pltpu.VMEM((B_PER_W, EMB), jnp.float32),
            pltpu.VMEM((B_PER_W, EMB), jnp.float32),
            pltpu.VMEM((B_PER_W,), jnp.float32),
            pltpu.VMEM((B_PER_W,), jnp.float32),
            pltpu.VMEM((LANES,), jnp.float32),
            pltpu.VMEM((B_PER_W,), jnp.float32),
            pltpu.SemaphoreType.DMA,
        ],
    )
    return run(u, v, user_emb, user_emb_bias, item_emb, item_emb_bias, mean)


def kernel(u, v, user_emb, user_emb_bias, item_emb, item_emb_bias, mean):
    return _svd_sc(u.astype(jnp.int32), v.astype(jnp.int32), user_emb,
                   user_emb_bias.reshape(-1), item_emb,
                   item_emb_bias.reshape(-1),
                   jnp.tile(mean.astype(jnp.float32), LANES))

# --- scband reference (transcript-rebuilt; emitter-appended) ---
"""Pipeline reference for scband-svd-86500641342003 (READ-ONLY COPY).

The authoritative reference and input builder live on the scoring server;
editing this copy changes nothing except your own understanding.
"""

import jax, jax.numpy as jnp
import numpy as np

NUM_USERS = 1000000
NUM_ITEMS = 1000000
EMB_SIZE = 64
BATCH = 16384
MEAN = 3.5


def setup_inputs(seed: int = 0) -> dict:
    key = jax.random.key(seed)
    k_u, k_v, k_ue, k_ub, k_ie, k_ib = jax.random.split(key, 6)
    u = jax.random.randint(k_u, (BATCH,), 0, NUM_USERS, dtype=jnp.int64 if jax.config.jax_enable_x64 else jnp.int32)
    v = jax.random.randint(k_v, (BATCH,), 0, NUM_ITEMS, dtype=jnp.int64 if jax.config.jax_enable_x64 else jnp.int32)
    user_emb = jax.random.uniform(k_ue, (NUM_USERS, EMB_SIZE), dtype=jnp.float32, minval=0.0, maxval=0.005)
    user_emb_bias = jax.random.uniform(k_ub, (NUM_USERS, 1), dtype=jnp.float32, minval=-0.01, maxval=0.01)
    item_emb = jax.random.uniform(k_ie, (NUM_ITEMS, EMB_SIZE), dtype=jnp.float32, minval=0.0, maxval=0.005)
    item_emb_bias = jax.random.uniform(k_ib, (NUM_ITEMS, 1), dtype=jnp.float32, minval=-0.01, maxval=0.01)
    mean = jnp.asarray([MEAN], dtype=jnp.float32)
    return {"u": u, "v": v, "user_emb": user_emb, "user_emb_bias": user_emb_bias,
            "item_emb": item_emb, "item_emb_bias": item_emb_bias, "mean": mean}


def reference(u, v, user_emb, user_emb_bias, item_emb, item_emb_bias, mean):
    U = jnp.take(user_emb, u, axis=0)                 # [B, E]
    b_u = jnp.take(user_emb_bias, u, axis=0).squeeze(-1)  # [B]
    I = jnp.take(item_emb, v, axis=0)                 # [B, E]
    b_i = jnp.take(item_emb_bias, v, axis=0).squeeze(-1)  # [B]
    return (I * U).sum(axis=1) + b_u + b_i + mean[0]

if __name__ == "__main__":
    import jax
    _d = setup_inputs()
    print(jax.jit(kernel)(*tuple(_d.values())))

</pallas_src>

<mosaic_0001>
#map = affine_map<(d0, d1) -> (0)>
#map1 = affine_map<(d0, d1) -> (0, 0)>
module attributes {stable_mosaic.version = 14 : i64} {
  func.func @_svd_body(%arg0: i32, %arg1: i32, %arg2: memref<16384xi32, #tpu.memory_space<hbm>>, %arg3: memref<16384xi32, #tpu.memory_space<hbm>>, %arg4: memref<1000000x64xf32, #tpu.memory_space<hbm>>, %arg5: memref<1000000xf32, #tpu.memory_space<hbm>>, %arg6: memref<1000000x64xf32, #tpu.memory_space<hbm>>, %arg7: memref<1000000xf32, #tpu.memory_space<hbm>>, %arg8: memref<16xf32, #tpu.memory_space<hbm>>, %arg9: memref<16384xf32, #tpu.memory_space<hbm>>, %arg10: memref<512xi32, #tpu.memory_space<vmem>>, %arg11: memref<512xi32, #tpu.memory_space<vmem>>, %arg12: memref<512x64xf32, #tpu.memory_space<vmem>>, %arg13: memref<512x64xf32, #tpu.memory_space<vmem>>, %arg14: memref<512xf32, #tpu.memory_space<vmem>>, %arg15: memref<512xf32, #tpu.memory_space<vmem>>, %arg16: memref<16xf32, #tpu.memory_space<vmem>>, %arg17: memref<512xf32, #tpu.memory_space<vmem>>, %arg18: memref<!tpu.dma_semaphore, #tpu.memory_space<semaphore_mem>>) attributes {dimension_semantics = [#tpu.dimension_semantics<core_parallel>, #tpu.dimension_semantics<subcore_parallel>], iteration_bounds = array<i64: 2, 16>, scalar_prefetch = 0 : i64, scratch_operands = 9 : i64, tpu.core_type = #tpu.core_type<sc_vector_subcore>, window_params = [{transform_indices = #map}, {transform_indices = #map}, {transform_indices = #map1}, {transform_indices = #map}, {transform_indices = #map1}, {transform_indices = #map}, {transform_indices = #map}, {transform_indices = #map}]} {
    %mul3A = arith.constant 2 : i32
    %mul3A_0 = arith.muli %arg1, %mul3A : i32
    %add3A = arith.addi %mul3A_0, %arg0 : i32
    %mul3A_1 = arith.constant 512 : i32
    %mul3A_2 = arith.muli %add3A, %mul3A_1 : i32
    "tpu.region"() ({
      %run_scoped3A = tpu.sem_alloc : memref<!tpu.dma_semaphore, #tpu.memory_space<semaphore_mem>>
      %dma_start3A_30 = tpu.memref_slice %arg2[%mul3A_2] : memref<16384xi32, #tpu.memory_space<hbm>> -> memref<512xi32, #tpu.memory_space<hbm>>
      %dma_start3A_31 = tpu.memref_slice %arg2[%mul3A_2] : memref<16384xi32, #tpu.memory_space<hbm>> -> memref<512xi32, #tpu.memory_space<hbm>>
      tpu.enqueue_dma source(%dma_start3A_31 : memref<512xi32, #tpu.memory_space<hbm>>) target(%arg10 : memref<512xi32, #tpu.memory_space<vmem>>) target_semaphore(%run_scoped3A : memref<!tpu.dma_semaphore, #tpu.memory_space<semaphore_mem>>)
      %dma_wait3A_32 = tpu.memref_slice %arg2[%mul3A_2] : memref<16384xi32, #tpu.memory_space<hbm>> -> memref<512xi32, #tpu.memory_space<hbm>>
      %dma_wait3A_33 = tpu.memref_slice %arg2[%mul3A_2] : memref<16384xi32, #tpu.memory_space<hbm>> -> memref<512xi32, #tpu.memory_space<hbm>>
      tpu.wait_dma2 semaphore(%run_scoped3A : memref<!tpu.dma_semaphore, #tpu.memory_space<semaphore_mem>>) src(%dma_wait3A_33 : memref<512xi32, #tpu.memory_space<hbm>>) dst(%arg10 : memref<512xi32, #tpu.memory_space<vmem>>)
      tpu.yield
    }) : () -> ()
    "tpu.region"() ({
      %run_scoped3A = tpu.sem_alloc : memref<!tpu.dma_semaphore, #tpu.memory_space<semaphore_mem>>
      %dma_start3A_30 = tpu.memref_slice %arg3[%mul3A_2] : memref<16384xi32, #tpu.memory_space<hbm>> -> memref<512xi32, #tpu.memory_space<hbm>>
      %dma_start3A_31 = tpu.memref_slice %arg3[%mul3A_2] : memref<16384xi32, #tpu.memory_space<hbm>> -> memref<512xi32, #tpu.memory_space<hbm>>
      tpu.enqueue_dma source(%dma_start3A_31 : memref<512xi32, #tpu.memory_space<hbm>>) target(%arg11 : memref<512xi32, #tpu.memory_space<vmem>>) target_semaphore(%run_scoped3A : memref<!tpu.dma_semaphore, #tpu.memory_space<semaphore_mem>>)
      %dma_wait3A_32 = tpu.memref_slice %arg3[%mul3A_2] : memref<16384xi32, #tpu.memory_space<hbm>> -> memref<512xi32, #tpu.memory_space<hbm>>
      %dma_wait3A_33 = tpu.memref_slice %arg3[%mul3A_2] : memref<16384xi32, #tpu.memory_space<hbm>> -> memref<512xi32, #tpu.memory_space<hbm>>
      tpu.wait_dma2 semaphore(%run_scoped3A : memref<!tpu.dma_semaphore, #tpu.memory_space<semaphore_mem>>) src(%dma_wait3A_33 : memref<512xi32, #tpu.memory_space<hbm>>) dst(%arg11 : memref<512xi32, #tpu.memory_space<vmem>>)
      tpu.yield
    }) : () -> ()
    "tpu.region"() ({
      %run_scoped3A = tpu.sem_alloc : memref<!tpu.dma_semaphore, #tpu.memory_space<semaphore_mem>>
      tpu.enqueue_dma source(%arg8 : memref<16xf32, #tpu.memory_space<hbm>>) target(%arg16 : memref<16xf32, #tpu.memory_space<vmem>>) target_semaphore(%run_scoped3A : memref<!tpu.dma_semaphore, #tpu.memory_space<semaphore_mem>>)
      tpu.wait_dma2 semaphore(%run_scoped3A : memref<!tpu.dma_semaphore, #tpu.memory_space<semaphore_mem>>) src(%arg8 : memref<16xf32, #tpu.memory_space<hbm>>) dst(%arg16 : memref<16xf32, #tpu.memory_space<vmem>>)
      tpu.yield
    }) : () -> ()
    %dma_start3A = arith.constant 0 : i32
    %dma_start3A_3 = arith.constant 0 : i32
    %dma_start3A_4 = tpu.memref_slice %arg4[%dma_start3A, %dma_start3A_3] : memref<1000000x64xf32, #tpu.memory_space<hbm>> -> memref<1000000x64xf32, #tpu.memory_space<hbm>>
    tpu.enqueue_indirect_dma source(%dma_start3A_4 : memref<1000000x64xf32, #tpu.memory_space<hbm>>) target(%arg12 : memref<512x64xf32, #tpu.memory_space<vmem>>) offsets(%arg10 : memref<512xi32, #tpu.memory_space<vmem>>) semaphore(%arg18 : memref<!tpu.dma_semaphore, #tpu.memory_space<semaphore_mem>>)
    %dma_start3A_5 = arith.constant 0 : i32
    %dma_start3A_6 = arith.constant 0 : i32
    %dma_start3A_7 = tpu.memref_slice %arg6[%dma_start3A_5, %dma_start3A_6] : memref<1000000x64xf32, #tpu.memory_space<hbm>> -> memref<1000000x64xf32, #tpu.memory_space<hbm>>
    tpu.enqueue_indirect_dma source(%dma_start3A_7 : memref<1000000x64xf32, #tpu.memory_space<hbm>>) target(%arg13 : memref<512x64xf32, #tpu.memory_space<vmem>>) offsets(%arg11 : memref<512xi32, #tpu.memory_space<vmem>>) semaphore(%arg18 : memref<!tpu.dma_semaphore, #tpu.memory_space<semaphore_mem>>)
    %dma_start3A_8 = arith.constant 0 : i32
    %dma_start3A_9 = tpu.memref_slice %arg5[%dma_start3A_8] : memref<1000000xf32, #tpu.memory_space<hbm>> -> memref<1000000xf32, #tpu.memory_space<hbm>>
    tpu.enqueue_indirect_dma source(%dma_start3A_9 : memref<1000000xf32, #tpu.memory_space<hbm>>) target(%arg14 : memref<512xf32, #tpu.memory_space<vmem>>) offsets(%arg10 : memref<512xi32, #tpu.memory_space<vmem>>) semaphore(%arg18 : memref<!tpu.dma_semaphore, #tpu.memory_space<semaphore_mem>>)
    %dma_start3A_10 = arith.constant 0 : i32
    %dma_start3A_11 = tpu.memref_slice %arg7[%dma_start3A_10] : memref<1000000xf32, #tpu.memory_space<hbm>> -> memref<1000000xf32, #tpu.memory_space<hbm>>
    tpu.enqueue_indirect_dma source(%dma_start3A_11 : memref<1000000xf32, #tpu.memory_space<hbm>>) target(%arg15 : memref<512xf32, #tpu.memory_space<vmem>>) offsets(%arg11 : memref<512xi32, #tpu.memory_space<vmem>>) semaphore(%arg18 : memref<!tpu.dma_semaphore, #tpu.memory_space<semaphore_mem>>)
    %dma_wait3A = arith.constant 0 : i32
    %dma_wait3A_12 = arith.constant 0 : i32
    %dma_wait3A_13 = tpu.memref_slice %arg4[%dma_wait3A, %dma_wait3A_12] : memref<1000000x64xf32, #tpu.memory_space<hbm>> -> memref<1000000x64xf32, #tpu.memory_space<hbm>>
    tpu.wait_indirect_dma semaphore(%arg18 : memref<!tpu.dma_semaphore, #tpu.memory_space<semaphore_mem>>) src(%dma_wait3A_13 : memref<1000000x64xf32, #tpu.memory_space<hbm>>) dst(%arg12 : memref<512x64xf32, #tpu.memory_space<vmem>>)
    %dma_wait3A_14 = arith.constant 0 : i32
    %dma_wait3A_15 = arith.constant 0 : i32
    %dma_wait3A_16 = tpu.memref_slice %arg6[%dma_wait3A_14, %dma_wait3A_15] : memref<1000000x64xf32, #tpu.memory_space<hbm>> -> memref<1000000x64xf32, #tpu.memory_space<hbm>>
    tpu.wait_indirect_dma semaphore(%arg18 : memref<!tpu.dma_semaphore, #tpu.memory_space<semaphore_mem>>) src(%dma_wait3A_16 : memref<1000000x64xf32, #tpu.memory_space<hbm>>) dst(%arg13 : memref<512x64xf32, #tpu.memory_space<vmem>>)
    %dma_wait3A_17 = arith.constant 0 : i32
    %dma_wait3A_18 = tpu.memref_slice %arg5[%dma_wait3A_17] : memref<1000000xf32, #tpu.memory_space<hbm>> -> memref<1000000xf32, #tpu.memory_space<hbm>>
    tpu.wait_indirect_dma semaphore(%arg18 : memref<!tpu.dma_semaphore, #tpu.memory_space<semaphore_mem>>) src(%dma_wait3A_18 : memref<1000000xf32, #tpu.memory_space<hbm>>) dst(%arg14 : memref<512xf32, #tpu.memory_space<vmem>>)
    %dma_wait3A_19 = arith.constant 0 : i32
    %dma_wait3A_20 = tpu.memref_slice %arg7[%dma_wait3A_19] : memref<1000000xf32, #tpu.memory_space<hbm>> -> memref<1000000xf32, #tpu.memory_space<hbm>>
    tpu.wait_indirect_dma semaphore(%arg18 : memref<!tpu.dma_semaphore, #tpu.memory_space<semaphore_mem>>) src(%dma_wait3A_20 : memref<1000000xf32, #tpu.memory_space<hbm>>) dst(%arg15 : memref<512xf32, #tpu.memory_space<vmem>>)
    %broadcast_in_dim3A = arith.constant 0 : i32
    %broadcast_in_dim3A_21 = vector.broadcast %broadcast_in_dim3A : i32 to vector<16xi32>
    %get3A = arith.constant 0 : index
    %get3A_22 = tpu.vector_load %arg16[%get3A] {strides = array<i32>} : memref<16xf32, #tpu.memory_space<vmem>>, vector<16xf32>,
    %broadcast_in_dim3A_23 = arith.constant 0.000000e+00 : f32
    %broadcast_in_dim3A_24 = vector.broadcast %broadcast_in_dim3A_23 : f32 to vector<16xf32>
    %iota3A = tpu.iota {dimensions = array<i32: 0>} : vector<16xi32>
    %scan3A = arith.constant 0 : i32
    %scan3A_25 = arith.constant 0 : i32
    %scan3A_26 = arith.constant 32 : i32
    %scan3A_27 = arith.addi %scan3A_25, %scan3A_26 : i32
    %scan3A_28 = arith.constant 1 : i32
    scf.for %scan3A_30 = %scan3A_25 to %scan3A_27 step %scan3A_28  : i32 {
      %mul3A_31 = arith.constant 16 : i32
      %mul3A_32 = arith.muli %scan3A_30, %mul3A_31 : i32
      %add3A_33 = vector.broadcast %mul3A_32 : i32 to vector<16xi32>
      %add3A_34 = arith.addi %add3A_33, %iota3A : vector<16xi32>
      %broadcast_in_dim3A_35 = arith.constant 0 : i32
      %broadcast_in_dim3A_36 = vector.broadcast %broadcast_in_dim3A_35 : i32 to vector<16xi32>
      %gather3A = tpu.vector_load_idx %arg12[%add3A_34, %broadcast_in_dim3A_36] : memref<512x64xf32, #tpu.memory_space<vmem>>[vector<16xi32>, vector<16xi32>], vector<16xf32>,
      %gather3A_37 = tpu.vector_load_idx %arg13[%add3A_34, %broadcast_in_dim3A_36] : memref<512x64xf32, #tpu.memory_space<vmem>>[vector<16xi32>, vector<16xi32>], vector<16xf32>,
      %mul3A_38 = arith.mulf %gather3A, %gather3A_37 : vector<16xf32>
      %add3A_39 = arith.addf %broadcast_in_dim3A_24, %mul3A_38 : vector<16xf32>
      %broadcast_in_dim3A_40 = arith.constant 1 : i32
      %broadcast_in_dim3A_41 = vector.broadcast %broadcast_in_dim3A_40 : i32 to vector<16xi32>
      %gather3A_42 = tpu.vector_load_idx %arg12[%add3A_34, %broadcast_in_dim3A_41] : memref<512x64xf32, #tpu.memory_space<vmem>>[vector<16xi32>, vector<16xi32>], vector<16xf32>,
      %gather3A_43 = tpu.vector_load_idx %arg13[%add3A_34, %broadcast_in_dim3A_41] : memref<512x64xf32, #tpu.memory_space<vmem>>[vector<16xi32>, vector<16xi32>], vector<16xf32>,
      %mul3A_44 = arith.mulf %gather3A_42, %gather3A_43 : vector<16xf32>
      %add3A_45 = arith.addf %add3A_39, %mul3A_44 : vector<16xf32>
      %broadcast_in_dim3A_46 = arith.constant 2 : i32
      %broadcast_in_dim3A_47 = vector.broadcast %broadcast_in_dim3A_46 : i32 to vector<16xi32>
      %gather3A_48 = tpu.vector_load_idx %arg12[%add3A_34, %broadcast_in_dim3A_47] : memref<512x64xf32, #tpu.memory_space<vmem>>[vector<16xi32>, vector<16xi32>], vector<16xf32>,
      %gather3A_49 = tpu.vector_load_idx %arg13[%add3A_34, %broadcast_in_dim3A_47] : memref<512x64xf32, #tpu.memory_space<vmem>>[vector<16xi32>, vector<16xi32>], vector<16xf32>,
      %mul3A_50 = arith.mulf %gather3A_48, %gather3A_49 : vector<16xf32>
      %add3A_51 = arith.addf %add3A_45, %mul3A_50 : vector<16xf32>
      %broadcast_in_dim3A_52 = arith.constant 3 : i32
      %broadcast_in_dim3A_53 = vector.broadcast %broadcast_in_dim3A_52 : i32 to vector<16xi32>
      %gather3A_54 = tpu.vector_load_idx %arg12[%add3A_34, %broadcast_in_dim3A_53] : memref<512x64xf32, #tpu.memory_space<vmem>>[vector<16xi32>, vector<16xi32>], vector<16xf32>,
      %gather3A_55 = tpu.vector_load_idx %arg13[%add3A_34, %broadcast_in_dim3A_53] : memref<512x64xf32, #tpu.memory_space<vmem>>[vector<16xi32>, vector<16xi32>], vector<16xf32>,
      %mul3A_56 = arith.mulf %gather3A_54, %gather3A_55 : vector<16xf32>
      %add3A_57 = arith.addf %add3A_51, %mul3A_56 : vector<16xf32>
      %broadcast_in_dim3A_58 = arith.constant 4 : i32
      %broadcast_in_dim3A_59 = vector.broadcast %broadcast_in_dim3A_58 : i32 to vector<16xi32>
      %gather3A_60 = tpu.vector_load_idx %arg12[%add3A_34, %broadcast_in_dim3A_59] : memref<512x64xf32, #tpu.memory_space<vmem>>[vector<16xi32>, vector<16xi32>], vector<16xf32>,
      %gather3A_61 = tpu.vector_load_idx %arg13[%add3A_34, %broadcast_in_dim3A_59] : memref<512x64xf32, #tpu.memory_space<vmem>>[vector<16xi32>, vector<16xi32>], vector<16xf32>,
      %mul3A_62 = arith.mulf %gather3A_60, %gather3A_61 : vector<16xf32>
      %add3A_63 = arith.addf %add3A_57, %mul3A_62 : vector<16xf32>
      %broadcast_in_dim3A_64 = arith.constant 5 : i32
      %broadcast_in_dim3A_65 = vector.broadcast %broadcast_in_dim3A_64 : i32 to vector<16xi32>
      %gather3A_66 = tpu.vector_load_idx %arg12[%add3A_34, %broadcast_in_dim3A_65] : memref<512x64xf32, #tpu.memory_space<vmem>>[vector<16xi32>, vector<16xi32>], vector<16xf32>,
      %gather3A_67 = tpu.vector_load_idx %arg13[%add3A_34, %broadcast_in_dim3A_65] : memref<512x64xf32, #tpu.memory_space<vmem>>[vector<16xi32>, vector<16xi32>], vector<16xf32>,
      %mul3A_68 = arith.mulf %gather3A_66, %gather3A_67 : vector<16xf32>
      %add3A_69 = arith.addf %add3A_63, %mul3A_68 : vector<16xf32>
      %broadcast_in_dim3A_70 = arith.constant 6 : i32
      %broadcast_in_dim3A_71 = vector.broadcast %broadcast_in_dim3A_70 : i32 to vector<16xi32>
      %gather3A_72 = tpu.vector_load_idx %arg12[%add3A_34, %broadcast_in_dim3A_71] : memref<512x64xf32, #tpu.memory_space<vmem>>[vector<16xi32>, vector<16xi32>], vector<16xf32>,
      %gather3A_73 = tpu.vector_load_idx %arg13[%add3A_34, %broadcast_in_dim3A_71] : memref<512x64xf32, #tpu.memory_space<vmem>>[vector<16xi32>, vector<16xi32>], vector<16xf32>,
      %mul3A_74 = arith.mulf %gather3A_72, %gather3A_73 : vector<16xf32>
      %add3A_75 = arith.addf %add3A_69, %mul3A_74 : vector<16xf32>
      %broadcast_in_dim3A_76 = arith.constant 7 : i32
      %broadcast_in_dim3A_77 = vector.broadcast %broadcast_in_dim3A_76 : i32 to vector<16xi32>
      %gather3A_78 = tpu.vector_load_idx %arg12[%add3A_34, %broadcast_in_dim3A_77] : memref<512x64xf32, #tpu.memory_space<vmem>>[vector<16xi32>, vector<16xi32>], vector<16xf32>,
      %gather3A_79 = tpu.vector_load_idx %arg13[%add3A_34, %broadcast_in_dim3A_77] : memref<512x64xf32, #tpu.memory_space<vmem>>[vector<16xi32>, vector<16xi32>], vector<16xf32>,
      %mul3A_80 = arith.mulf %gather3A_78, %gather3A_79 : vector<16xf32>
      %add3A_81 = arith.addf %add3A_75, %mul3A_80 : vector<16xf32>
      %broadcast_in_dim3A_82 = arith.constant 8 : i32
      %broadcast_in_dim3A_83 = vector.broadcast %broadcast_in_dim3A_82 : i32 to vector<16xi32>
      %gather3A_84 = tpu.vector_load_idx %arg12[%add3A_34, %broadcast_in_dim3A_83] : memref<512x64xf32, #tpu.memory_space<vmem>>[vector<16xi32>, vector<16xi32>], vector<16xf32>,
      %gather3A_85 = tpu.vector_load_idx %arg13[%add3A_34, %broadcast_in_dim3A_83] : memref<512x64xf32, #tpu.memory_space<vmem>>[vector<16xi32>, vector<16xi32>], vector<16xf32>,
      %mul3A_86 = arith.mulf %gather3A_84, %gather3A_85 : vector<16xf32>
      %add3A_87 = arith.addf %add3A_81, %mul3A_86 : vector<16xf32>
      %broadcast_in_dim3A_88 = arith.constant 9 : i32
      %broadcast_in_dim3A_89 = vector.broadcast %broadcast_in_dim3A_88 : i32 to vector<16xi32>
      %gather3A_90 = tpu.vector_load_idx %arg12[%add3A_34, %broadcast_in_dim3A_89] : memref<512x64xf32, #tpu.memory_space<vmem>>[vector<16xi32>, vector<16xi32>], vector<16xf32>,
      %gather3A_91 = tpu.vector_load_idx %arg13[%add3A_34, %broadcast_in_dim3A_89] : memref<512x64xf32, #tpu.memory_space<vmem>>[vector<16xi32>, vector<16xi32>], vector<16xf32>,
      %mul3A_92 = arith.mulf %gather3A_90, %gather3A_91 : vector<16xf32>
      %add3A_93 = arith.addf %add3A_87, %mul3A_92 : vector<16xf32>
      %broadcast_in_dim3A_94 = arith.constant 10 : i32
      %broadcast_in_dim3A_95 = vector.broadcast %broadcast_in_dim3A_94 : i32 to vector<16xi32>
      %gather3A_96 = tpu.vector_load_idx %arg12[%add3A_34, %broadcast_in_dim3A_95] : memref<512x64xf32, #tpu.memory_space<vmem>>[vector<16xi32>, vector<16xi32>], vector<16xf32>,
      %gather3A_97 = tpu.vector_load_idx %arg13[%add3A_34, %broadcast_in_dim3A_95] : memref<512x64xf32, #tpu.memory_space<vmem>>[vector<16xi32>, vector<16xi32>], vector<16xf32>,
      %mul3A_98 = arith.mulf %gather3A_96, %gather3A_97 : vector<16xf32>
      %add3A_99 = arith.addf %add3A_93, %mul3A_98 : vector<16xf32>
      %broadcast_in_dim3A_100 = arith.constant 11 : i32
      %broadcast_in_dim3A_101 = vector.broadcast %broadcast_in_dim3A_100 : i32 to vector<16xi32>
      %gather3A_102 = tpu.vector_load_idx %arg12[%add3A_34, %broadcast_in_dim3A_101] : memref<512x64xf32, #tpu.memory_space<vmem>>[vector<16xi32>, vector<16xi32>], vector<16xf32>,
      %gather3A_103 = tpu.vector_load_idx %arg13[%add3A_34, %broadcast_in_dim3A_101] : memref<512x64xf32, #tpu.memory_space<vmem>>[vector<16xi32>, vector<16xi32>], vector<16xf32>,
      %mul3A_104 = arith.mulf %gather3A_102, %gather3A_103 : vector<16xf32>
      %add3A_105 = arith.addf %add3A_99, %mul3A_104 : vector<16xf32>
      %broadcast_in_dim3A_106 = arith.constant 12 : i32
      %broadcast_in_dim3A_107 = vector.broadcast %broadcast_in_dim3A_106 : i32 to vector<16xi32>
      %gather3A_108 = tpu.vector_load_idx %arg12[%add3A_34, %broadcast_in_dim3A_107] : memref<512x64xf32, #tpu.memory_space<vmem>>[vector<16xi32>, vector<16xi32>], vector<16xf32>,
      %gather3A_109 = tpu.vector_load_idx %arg13[%add3A_34, %broadcast_in_dim3A_107] : memref<512x64xf32, #tpu.memory_space<vmem>>[vector<16xi32>, vector<16xi32>], vector<16xf32>,
      %mul3A_110 = arith.mulf %gather3A_108, %gather3A_109 : vector<16xf32>
      %add3A_111 = arith.addf %add3A_105, %mul3A_110 : vector<16xf32>
      %broadcast_in_dim3A_112 = arith.constant 13 : i32
      %broadcast_in_dim3A_113 = vector.broadcast %broadcast_in_dim3A_112 : i32 to vector<16xi32>
      %gather3A_114 = tpu.vector_load_idx %arg12[%add3A_34, %broadcast_in_dim3A_113] : memref<512x64xf32, #tpu.memory_space<vmem>>[vector<16xi32>, vector<16xi32>], vector<16xf32>,
      %gather3A_115 = tpu.vector_load_idx %arg13[%add3A_34, %broadcast_in_dim3A_113] : memref<512x64xf32, #tpu.memory_space<vmem>>[vector<16xi32>, vector<16xi32>], vector<16xf32>,
      %mul3A_116 = arith.mulf %gather3A_114, %gather3A_115 : vector<16xf32>
      %add3A_117 = arith.addf %add3A_111, %mul3A_116 : vector<16xf32>
      %broadcast_in_dim3A_118 = arith.constant 14 : i32
      %broadcast_in_dim3A_119 = vector.broadcast %broadcast_in_dim3A_118 : i32 to vector<16xi32>
      %gather3A_120 = tpu.vector_load_idx %arg12[%add3A_34, %broadcast_in_dim3A_119] : memref<512x64xf32, #tpu.memory_space<vmem>>[vector<16xi32>, vector<16xi32>], vector<16xf32>,
      %gather3A_121 = tpu.vector_load_idx %arg13[%add3A_34, %broadcast_in_dim3A_119] : memref<512x64xf32, #tpu.memory_space<vmem>>[vector<16xi32>, vector<16xi32>], vector<16xf32>,
      %mul3A_122 = arith.mulf %gather3A_120, %gather3A_121 : vector<16xf32>
      %add3A_123 = arith.addf %add3A_117, %mul3A_122 : vector<16xf32>
      %broadcast_in_dim3A_124 = arith.constant 15 : i32
      %broadcast_in_dim3A_125 = vector.broadcast %broadcast_in_dim3A_124 : i32 to vector<16xi32>
      %gather3A_126 = tpu.vector_load_idx %arg12[%add3A_34, %broadcast_in_dim3A_125] : memref<512x64xf32, #tpu.memory_space<vmem>>[vector<16xi32>, vector<16xi32>], vector<16xf32>,
      %gather3A_127 = tpu.vector_load_idx %arg13[%add3A_34, %broadcast_in_dim3A_125] : memref<512x64xf32, #tpu.memory_space<vmem>>[vector<16xi32>, vector<16xi32>], vector<16xf32>,
      %mul3A_128 = arith.mulf %gather3A_126, %gather3A_127 : vector<16xf32>
      %add3A_129 = arith.addf %add3A_123, %mul3A_128 : vector<16xf32>
      %broadcast_in_dim3A_130 = arith.constant 16 : i32
      %broadcast_in_dim3A_131 = vector.broadcast %broadcast_in_dim3A_130 : i32 to vector<16xi32>
      %gather3A_132 = tpu.vector_load_idx %arg12[%add3A_34, %broadcast_in_dim3A_131] : memref<512x64xf32, #tpu.memory_space<vmem>>[vector<16xi32>, vector<16xi32>], vector<16xf32>,
      %gather3A_133 = tpu.vector_load_idx %arg13[%add3A_34, %broadcast_in_dim3A_131] : memref<512x64xf32, #tpu.memory_space<vmem>>[vector<16xi32>, vector<16xi32>], vector<16xf32>,
      %mul3A_134 = arith.mulf %gather3A_132, %gather3A_133 : vector<16xf32>
      %add3A_135 = arith.addf %add3A_129, %mul3A_134 : vector<16xf32>
      %broadcast_in_dim3A_136 = arith.constant 17 : i32
      %broadcast_in_dim3A_137 = vector.broadcast %broadcast_in_dim3A_136 : i32 to vector<16xi32>
      %gather3A_138 = tpu.vector_load_idx %arg12[%add3A_34, %broadcast_in_dim3A_137] : memref<512x64xf32, #tpu.memory_space<vmem>>[vector<16xi32>, vector<16xi32>], vector<16xf32>,
      %gather3A_139 = tpu.vector_load_idx %arg13[%add3A_34, %broadcast_in_dim3A_137] : memref<512x64xf32, #tpu.memory_space<vmem>>[vector<16xi32>, vector<16xi32>], vector<16xf32>,
      %mul3A_140 = arith.mulf %gather3A_138, %gather3A_139 : vector<16xf32>
      %add3A_141 = arith.addf %add3A_135, %mul3A_140 : vector<16xf32>
      %broadcast_in_dim3A_142 = arith.constant 18 : i32
      %broadcast_in_dim3A_143 = vector.broadcast %broadcast_in_dim3A_142 : i32 to vector<16xi32>
      %gather3A_144 = tpu.vector_load_idx %arg12[%add3A_34, %broadcast_in_dim3A_143] : memref<512x64xf32, #tpu.memory_space<vmem>>[vector<16xi32>, vector<16xi32>], vector<16xf32>,
      %gather3A_145 = tpu.vector_load_idx %arg13[%add3A_34, %broadcast_in_dim3A_143] : memref<512x64xf32, #tpu.memory_space<vmem>>[vector<16xi32>, vector<16xi32>], vector<16xf32>,
      %mul3A_146 = arith.mulf %gather3A_144, %gather3A_145 : vector<16xf32>
      %add3A_147 = arith.addf %add3A_141, %mul3A_146 : vector<16xf32>
      %broadcast_in_dim3A_148 = arith.constant 19 : i32
      %broadcast_in_dim3A_149 = vector.broadcast %broadcast_in_dim3A_148 : i32 to vector<16xi32>
      %gather3A_150 = tpu.vector_load_idx %arg12[%add3A_34, %broadcast_in_dim3A_149] : memref<512x64xf32, #tpu.memory_space<vmem>>[vector<16xi32>, vector<16xi32>], vector<16xf32>,
      %gather3A_151 = tpu.vector_load_idx %arg13[%add3A_34, %broadcast_in_dim3A_149] : memref<512x64xf32, #tpu.memory_space<vmem>>[vector<16xi32>, vector<16xi32>], vector<16xf32>,
      %mul3A_152 = arith.mulf %gather3A_150, %gather3A_151 : vector<16xf32>
      %add3A_153 = arith.addf %add3A_147, %mul3A_152 : vector<16xf32>
      %broadcast_in_dim3A_154 = arith.constant 20 : i32
      %broadcast_in_dim3A_155 = vector.broadcast %broadcast_in_dim3A_154 : i32 to vector<16xi32>
      %gather3A_156 = tpu.vector_load_idx %arg12[%add3A_34, %broadcast_in_dim3A_155] : memref<512x64xf32, #tpu.memory_space<vmem>>[vector<16xi32>, vector<16xi32>], vector<16xf32>,
      %gather3A_157 = tpu.vector_load_idx %arg13[%add3A_34, %broadcast_in_dim3A_155] : memref<512x64xf32, #tpu.memory_space<vmem>>[vector<16xi32>, vector<16xi32>], vector<16xf32>,
      %mul3A_158 = arith.mulf %gather3A_156, %gather3A_157 : vector<16xf32>
      %add3A_159 = arith.addf %add3A_153, %mul3A_158 : vector<16xf32>
      %broadcast_in_dim3A_160 = arith.constant 21 : i32
      %broadcast_in_dim3A_161 = vector.broadcast %broadcast_in_dim3A_160 : i32 to vector<16xi32>
      %gather3A_162 = tpu.vector_load_idx %arg12[%add3A_34, %broadcast_in_dim3A_161] : memref<512x64xf32, #tpu.memory_space<vmem>>[vector<16xi32>, vector<16xi32>], vector<16xf32>,
      %gather3A_163 = tpu.vector_load_idx %arg13[%add3A_34, %broadcast_in_dim3A_161] : memref<512x64xf32, #tpu.memory_space<vmem>>[vector<16xi32>, vector<16xi32>], vector<16xf32>,
      %mul3A_164 = arith.mulf %gather3A_162, %gather3A_163 : vector<16xf32>
      %add3A_165 = arith.addf %add3A_159, %mul3A_164 : vector<16xf32>
      %broadcast_in_dim3A_166 = arith.constant 22 : i32
      %broadcast_in_dim3A_167 = vector.broadcast %broadcast_in_dim3A_166 : i32 to vector<16xi32>
      %gather3A_168 = tpu.vector_load_idx %arg12[%add3A_34, %broadcast_in_dim3A_167] : memref<512x64xf32, #tpu.memory_space<vmem>>[vector<16xi32>, vector<16xi32>], vector<16xf32>,
      %gather3A_169 = tpu.vector_load_idx %arg13[%add3A_34, %broadcast_in_dim3A_167] : memref<512x64xf32, #tpu.memory_space<vmem>>[vector<16xi32>, vector<16xi32>], vector<16xf32>,
      %mul3A_170 = arith.mulf %gather3A_168, %gather3A_169 : vector<16xf32>
      %add3A_171 = arith.addf %add3A_165, %mul3A_170 : vector<16xf32>
      %broadcast_in_dim3A_172 = arith.constant 23 : i32
      %broadcast_in_dim3A_173 = vector.broadcast %broadcast_in_dim3A_172 : i32 to vector<16xi32>
      %gather3A_174 = tpu.vector_load_idx %arg12[%add3A_34, %broadcast_in_dim3A_173] : memref<512x64xf32, #tpu.memory_space<vmem>>[vector<16xi32>, vector<16xi32>], vector<16xf32>,
      %gather3A_175 = tpu.vector_load_idx %arg13[%add3A_34, %broadcast_in_dim3A_173] : memref<512x64xf32, #tpu.memory_space<vmem>>[vector<16xi32>, vector<16xi32>], vector<16xf32>,
      %mul3A_176 = arith.mulf %gather3A_174, %gather3A_175 : vector<16xf32>
      %add3A_177 = arith.addf %add3A_171, %mul3A_176 : vector<16xf32>
      %broadcast_in_dim3A_178 = arith.constant 24 : i32
      %broadcast_in_dim3A_179 = vector.broadcast %broadcast_in_dim3A_178 : i32 to vector<16xi32>
      %gather3A_180 = tpu.vector_load_idx %arg12[%add3A_34, %broadcast_in_dim3A_179] : memref<512x64xf32, #tpu.memory_space<vmem>>[vector<16xi32>, vector<16xi32>], vector<16xf32>,
      %gather3A_181 = tpu.vector_load_idx %arg13[%add3A_34, %broadcast_in_dim3A_179] : memref<512x64xf32, #tpu.memory_space<vmem>>[vector<16xi32>, vector<16xi32>], vector<16xf32>,
      %mul3A_182 = arith.mulf %gather3A_180, %gather3A_181 : vector<16xf32>
      %add3A_183 = arith.addf %add3A_177, %mul3A_182 : vector<16xf32>
      %broadcast_in_dim3A_184 = arith.constant 25 : i32
      %broadcast_in_dim3A_185 = vector.broadcast %broadcast_in_dim3A_184 : i32 to vector<16xi32>
      %gather3A_186 = tpu.vector_load_idx %arg12[%add3A_34, %broadcast_in_dim3A_185] : memref<512x64xf32, #tpu.memory_space<vmem>>[vector<16xi32>, vector<16xi32>], vector<16xf32>,
      %gather3A_187 = tpu.vector_load_idx %arg13[%add3A_34, %broadcast_in_dim3A_185] : memref<512x64xf32, #tpu.memory_space<vmem>>[vector<16xi32>, vector<16xi32>], vector<16xf32>,
      %mul3A_188 = arith.mulf %gather3A_186, %gather3A_187 : vector<16xf32>
      %add3A_189 = arith.addf %add3A_183, %mul3A_188 : vector<16xf32>
      %broadcast_in_dim3A_190 = arith.constant 26 : i32
      %broadcast_in_dim3A_191 = vector.broadcast %broadcast_in_dim3A_190 : i32 to vector<16xi32>
      %gather3A_192 = tpu.vector_load_idx %arg12[%add3A_34, %broadcast_in_dim3A_191] : memref<512x64xf32, #tpu.memory_space<vmem>>[vector<16xi32>, vector<16xi32>], vector<16xf32>,
      %gather3A_193 = tpu.vector_load_idx %arg13[%add3A_34, %broadcast_in_dim3A_191] : memref<512x64xf32, #tpu.memory_space<vmem>>[vector<16xi32>, vector<16xi32>], vector<16xf32>,
      %mul3A_194 = arith.mulf %gather3A_192, %gather3A_193 : vector<16xf32>
      %add3A_195 = arith.addf %add3A_189, %mul3A_194 : vector<16xf32>
      %broadcast_in_dim3A_196 = arith.constant 27 : i32
      %broadcast_in_dim3A_197 = vector.broadcast %broadcast_in_dim3A_196 : i32 to vector<16xi32>
      %gather3A_198 = tpu.vector_load_idx %arg12[%add3A_34, %broadcast_in_dim3A_197] : memref<512x64xf32, #tpu.memory_space<vmem>>[vector<16xi32>, vector<16xi32>], vector<16xf32>,
      %gather3A_199 = tpu.vector_load_idx %arg13[%add3A_34, %broadcast_in_dim3A_197] : memref<512x64xf32, #tpu.memory_space<vmem>>[vector<16xi32>, vector<16xi32>], vector<16xf32>,
      %mul3A_200 = arith.mulf %gather3A_198, %gather3A_199 : vector<16xf32>
      %add3A_201 = arith.addf %add3A_195, %mul3A_200 : vector<16xf32>
      %broadcast_in_dim3A_202 = arith.constant 28 : i32
      %broadcast_in_dim3A_203 = vector.broadcast %broadcast_in_dim3A_202 : i32 to vector<16xi32>
      %gather3A_204 = tpu.vector_load_idx %arg12[%add3A_34, %broadcast_in_dim3A_203] : memref<512x64xf32, #tpu.memory_space<vmem>>[vector<16xi32>, vector<16xi32>], vector<16xf32>,
      %gather3A_205 = tpu.vector_load_idx %arg13[%add3A_34, %broadcast_in_dim3A_203] : memref<512x64xf32, #tpu.memory_space<vmem>>[vector<16xi32>, vector<16xi32>], vector<16xf32>,
      %mul3A_206 = arith.mulf %gather3A_204, %gather3A_205 : vector<16xf32>
      %add3A_207 = arith.addf %add3A_201, %mul3A_206 : vector<16xf32>
      %broadcast_in_dim3A_208 = arith.constant 29 : i32
      %broadcast_in_dim3A_209 = vector.broadcast %broadcast_in_dim3A_208 : i32 to vector<16xi32>
      %gather3A_210 = tpu.vector_load_idx %arg12[%add3A_34, %broadcast_in_dim3A_209] : memref<512x64xf32, #tpu.memory_space<vmem>>[vector<16xi32>, vector<16xi32>], vector<16xf32>,
      %gather3A_211 = tpu.vector_load_idx %arg13[%add3A_34, %broadcast_in_dim3A_209] : memref<512x64xf32, #tpu.memory_space<vmem>>[vector<16xi32>, vector<16xi32>], vector<16xf32>,
      %mul3A_212 = arith.mulf %gather3A_210, %gather3A_211 : vector<16xf32>
      %add3A_213 = arith.addf %add3A_207, %mul3A_212 : vector<16xf32>
      %broadcast_in_dim3A_214 = arith.constant 30 : i32
      %broadcast_in_dim3A_215 = vector.broadcast %broadcast_in_dim3A_214 : i32 to vector<16xi32>
      %gather3A_216 = tpu.vector_load_idx %arg12[%add3A_34, %broadcast_in_dim3A_215] : memref<512x64xf32, #tpu.memory_space<vmem>>[vector<16xi32>, vector<16xi32>], vector<16xf32>,
      %gather3A_217 = tpu.vector_load_idx %arg13[%add3A_34, %broadcast_in_dim3A_215] : memref<512x64xf32, #tpu.memory_space<vmem>>[vector<16xi32>, vector<16xi32>], vector<16xf32>,
      %mul3A_218 = arith.mulf %gather3A_216, %gather3A_217 : vector<16xf32>
      %add3A_219 = arith.addf %add3A_213, %mul3A_218 : vector<16xf32>
      %broadcast_in_dim3A_220 = arith.constant 31 : i32
      %broadcast_in_dim3A_221 = vector.broadcast %broadcast_in_dim3A_220 : i32 to vector<16xi32>
      %gather3A_222 = tpu.vector_load_idx %arg12[%add3A_34, %broadcast_in_dim3A_221] : memref<512x64xf32, #tpu.memory_space<vmem>>[vector<16xi32>, vector<16xi32>], vector<16xf32>,
      %gather3A_223 = tpu.vector_load_idx %arg13[%add3A_34, %broadcast_in_dim3A_221] : memref<512x64xf32, #tpu.memory_space<vmem>>[vector<16xi32>, vector<16xi32>], vector<16xf32>,
      %mul3A_224 = arith.mulf %gather3A_222, %gather3A_223 : vector<16xf32>
      %add3A_225 = arith.addf %add3A_219, %mul3A_224 : vector<16xf32>
      %broadcast_in_dim3A_226 = arith.constant 32 : i32
      %broadcast_in_dim3A_227 = vector.broadcast %broadcast_in_dim3A_226 : i32 to vector<16xi32>
      %gather3A_228 = tpu.vector_load_idx %arg12[%add3A_34, %broadcast_in_dim3A_227] : memref<512x64xf32, #tpu.memory_space<vmem>>[vector<16xi32>, vector<16xi32>], vector<16xf32>,
      %gather3A_229 = tpu.vector_load_idx %arg13[%add3A_34, %broadcast_in_dim3A_227] : memref<512x64xf32, #tpu.memory_space<vmem>>[vector<16xi32>, vector<16xi32>], vector<16xf32>,
      %mul3A_230 = arith.mulf %gather3A_228, %gather3A_229 : vector<16xf32>
      %add3A_231 = arith.addf %add3A_225, %mul3A_230 : vector<16xf32>
      %broadcast_in_dim3A_232 = arith.constant 33 : i32
      %broadcast_in_dim3A_233 = vector.broadcast %broadcast_in_dim3A_232 : i32 to vector<16xi32>
      %gather3A_234 = tpu.vector_load_idx %arg12[%add3A_34, %broadcast_in_dim3A_233] : memref<512x64xf32, #tpu.memory_space<vmem>>[vector<16xi32>, vector<16xi32>], vector<16xf32>,
      %gather3A_235 = tpu.vector_load_idx %arg13[%add3A_34, %broadcast_in_dim3A_233] : memref<512x64xf32, #tpu.memory_space<vmem>>[vector<16xi32>, vector<16xi32>], vector<16xf32>,
      %mul3A_236 = arith.mulf %gather3A_234, %gather3A_235 : vector<16xf32>
      %add3A_237 = arith.addf %add3A_231, %mul3A_236 : vector<16xf32>
      %broadcast_in_dim3A_238 = arith.constant 34 : i32
      %broadcast_in_dim3A_239 = vector.broadcast %broadcast_in_dim3A_238 : i32 to vector<16xi32>
      %gather3A_240 = tpu.vector_load_idx %arg12[%add3A_34, %broadcast_in_dim3A_239] : memref<512x64xf32, #tpu.memory_space<vmem>>[vector<16xi32>, vector<16xi32>], vector<16xf32>,
      %gather3A_241 = tpu.vector_load_idx %arg13[%add3A_34, %broadcast_in_dim3A_239] : memref<512x64xf32, #tpu.memory_space<vmem>>[vector<16xi32>, vector<16xi32>], vector<16xf32>,
      %mul3A_242 = arith.mulf %gather3A_240, %gather3A_241 : vector<16xf32>
      %add3A_243 = arith.addf %add3A_237, %mul3A_242 : vector<16xf32>
      %broadcast_in_dim3A_244 = arith.constant 35 : i32
      %broadcast_in_dim3A_245 = vector.broadcast %broadcast_in_dim3A_244 : i32 to vector<16xi32>
      %gather3A_246 = tpu.vector_load_idx %arg12[%add3A_34, %broadcast_in_dim3A_245] : memref<512x64xf32, #tpu.memory_space<vmem>>[vector<16xi32>, vector<16xi32>], vector<16xf32>,
      %gather3A_247 = tpu.vector_load_idx %arg13[%add3A_34, %broadcast_in_dim3A_245] : memref<512x64xf32, #tpu.memory_space<vmem>>[vector<16xi32>, vector<16xi32>], vector<16xf32>,
      %mul3A_248 = arith.mulf %gather3A_246, %gather3A_247 : vector<16xf32>
      %add3A_249 = arith.addf %add3A_243, %mul3A_248 : vector<16xf32>
      %broadcast_in_dim3A_250 = arith.constant 36 : i32
      %broadcast_in_dim3A_251 = vector.broadcast %broadcast_in_dim3A_250 : i32 to vector<16xi32>
      %gather3A_252 = tpu.vector_load_idx %arg12[%add3A_34, %broadcast_in_dim3A_251] : memref<512x64xf32, #tpu.memory_space<vmem>>[vector<16xi32>, vector<16xi32>], vector<16xf32>,
      %gather3A_253 = tpu.vector_load_idx %arg13[%add3A_34, %broadcast_in_dim3A_251] : memref<512x64xf32, #tpu.memory_space<vmem>>[vector<16xi32>, vector<16xi32>], vector<16xf32>,
      %mul3A_254 = arith.mulf %gather3A_252, %gather3A_253 : vector<16xf32>
      %add3A_255 = arith.addf %add3A_249, %mul3A_254 : vector<16xf32>
      %broadcast_in_dim3A_256 = arith.constant 37 : i32
      %broadcast_in_dim3A_257 = vector.broadcast %broadcast_in_dim3A_256 : i32 to vector<16xi32>
      %gather3A_258 = tpu.vector_load_idx %arg12[%add3A_34, %broadcast_in_dim3A_257] : memref<512x64xf32, #tpu.memory_space<vmem>>[vector<16xi32>, vector<16xi32>], vector<16xf32>,
      %gather3A_259 = tpu.vector_load_idx %arg13[%add3A_34, %broadcast_in_dim3A_257] : memref<512x64xf32, #tpu.memory_space<vmem>>[vector<16xi32>, vector<16xi32>], vector<16xf32>,
      %mul3A_260 = arith.mulf %gather3A_258, %gather3A_259 : vector<16xf32>
      %add3A_261 = arith.addf %add3A_255, %mul3A_260 : vector<16xf32>
      %broadcast_in_dim3A_262 = arith.constant 38 : i32
      %broadcast_in_dim3A_263 = vector.broadcast %broadcast_in_dim3A_262 : i32 to vector<16xi32>
      %gather3A_264 = tpu.vector_load_idx %arg12[%add3A_34, %broadcast_in_dim3A_263] : memref<512x64xf32, #tpu.memory_space<vmem>>[vector<16xi32>, vector<16xi32>], vector<16xf32>,
      %gather3A_265 = tpu.vector_load_idx %arg13[%add3A_34, %broadcast_in_dim3A_263] : memref<512x64xf32, #tpu.memory_space<vmem>>[vector<16xi32>, vector<16xi32>], vector<16xf32>,
      %mul3A_266 = arith.mulf %gather3A_264, %gather3A_265 : vector<16xf32>
      %add3A_267 = arith.addf %add3A_261, %mul3A_266 : vector<16xf32>
      %broadcast_in_dim3A_268 = arith.constant 39 : i32
      %broadcast_in_dim3A_269 = vector.broadcast %broadcast_in_dim3A_268 : i32 to vector<16xi32>
      %gather3A_270 = tpu.vector_load_idx %arg12[%add3A_34, %broadcast_in_dim3A_269] : memref<512x64xf32, #tpu.memory_space<vmem>>[vector<16xi32>, vector<16xi32>], vector<16xf32>,
      %gather3A_271 = tpu.vector_load_idx %arg13[%add3A_34, %broadcast_in_dim3A_269] : memref<512x64xf32, #tpu.memory_space<vmem>>[vector<16xi32>, vector<16xi32>], vector<16xf32>,
      %mul3A_272 = arith.mulf %gather3A_270, %gather3A_271 : vector<16xf32>
      %add3A_273 = arith.addf %add3A_267, %mul3A_272 : vector<16xf32>
      %broadcast_in_dim3A_274 = arith.constant 40 : i32
      %broadcast_in_dim3A_275 = vector.broadcast %broadcast_in_dim3A_274 : i32 to vector<16xi32>
      %gather3A_276 = tpu.vector_load_idx %arg12[%add3A_34, %broadcast_in_dim3A_275] : memref<512x64xf32, #tpu.memory_space<vmem>>[vector<16xi32>, vector<16xi32>], vector<16xf32>,
      %gather3A_277 = tpu.vector_load_idx %arg13[%add3A_34, %broadcast_in_dim3A_275] : memref<512x64xf32, #tpu.memory_space<vmem>>[vector<16xi32>, vector<16xi32>], vector<16xf32>,
      %mul3A_278 = arith.mulf %gather3A_276, %gather3A_277 : vector<16xf32>
      %add3A_279 = arith.addf %add3A_273, %mul3A_278 : vector<16xf32>
      %broadcast_in_dim3A_280 = arith.constant 41 : i32
      %broadcast_in_dim3A_281 = vector.broadcast %broadcast_in_dim3A_280 : i32 to vector<16xi32>
      %gather3A_282 = tpu.vector_load_idx %arg12[%add3A_34, %broadcast_in_dim3A_281] : memref<512x64xf32, #tpu.memory_space<vmem>>[vector<16xi32>, vector<16xi32>], vector<16xf32>,
      %gather3A_283 = tpu.vector_load_idx %arg13[%add3A_34, %broadcast_in_dim3A_281] : memref<512x64xf32, #tpu.memory_space<vmem>>[vector<16xi32>, vector<16xi32>], vector<16xf32>,
      %mul3A_284 = arith.mulf %gather3A_282, %gather3A_283 : vector<16xf32>
      %add3A_285 = arith.addf %add3A_279, %mul3A_284 : vector<16xf32>
      %broadcast_in_dim3A_286 = arith.constant 42 : i32
      %broadcast_in_dim3A_287 = vector.broadcast %broadcast_in_dim3A_286 : i32 to vector<16xi32>
      %gather3A_288 = tpu.vector_load_idx %arg12[%add3A_34, %broadcast_in_dim3A_287] : memref<512x64xf32, #tpu.memory_space<vmem>>[vector<16xi32>, vector<16xi32>], vector<16xf32>,
      %gather3A_289 = tpu.vector_load_idx %arg13[%add3A_34, %broadcast_in_dim3A_287] : memref<512x64xf32, #tpu.memory_space<vmem>>[vector<16xi32>, vector<16xi32>], vector<16xf32>,
      %mul3A_290 = arith.mulf %gather3A_288, %gather3A_289 : vector<16xf32>
      %add3A_291 = arith.addf %add3A_285, %mul3A_290 : vector<16xf32>
      %broadcast_in_dim3A_292 = arith.constant 43 : i32
      %broadcast_in_dim3A_293 = vector.broadcast %broadcast_in_dim3A_292 : i32 to vector<16xi32>
      %gather3A_294 = tpu.vector_load_idx %arg12[%add3A_34, %broadcast_in_dim3A_293] : memref<512x64xf32, #tpu.memory_space<vmem>>[vector<16xi32>, vector<16xi32>], vector<16xf32>,
      %gather3A_295 = tpu.vector_load_idx %arg13[%add3A_34, %broadcast_in_dim3A_293] : memref<512x64xf32, #tpu.memory_space<vmem>>[vector<16xi32>, vector<16xi32>], vector<16xf32>,
      %mul3A_296 = arith.mulf %gather3A_294, %gather3A_295 : vector<16xf32>
      %add3A_297 = arith.addf %add3A_291, %mul3A_296 : vector<16xf32>
      %broadcast_in_dim3A_298 = arith.constant 44 : i32
      %broadcast_in_dim3A_299 = vector.broadcast %broadcast_in_dim3A_298 : i32 to vector<16xi32>
      %gather3A_300 = tpu.vector_load_idx %arg12[%add3A_34, %broadcast_in_dim3A_299] : memref<512x64xf32, #tpu.memory_space<vmem>>[vector<16xi32>, vector<16xi32>], vector<16xf32>,
      %gather3A_301 = tpu.vector_load_idx %arg13[%add3A_34, %broadcast_in_dim3A_299] : memref<512x64xf32, #tpu.memory_space<vmem>>[vector<16xi32>, vector<16xi32>], vector<16xf32>,
      %mul3A_302 = arith.mulf %gather3A_300, %gather3A_301 : vector<16xf32>
      %add3A_303 = arith.addf %add3A_297, %mul3A_302 : vector<16xf32>
      %broadcast_in_dim3A_304 = arith.constant 45 : i32
      %broadcast_in_dim3A_305 = vector.broadcast %broadcast_in_dim3A_304 : i32 to vector<16xi32>
      %gather3A_306 = tpu.vector_load_idx %arg12[%add3A_34, %broadcast_in_dim3A_305] : memref<512x64xf32, #tpu.memory_space<vmem>>[vector<16xi32>, vector<16xi32>], vector<16xf32>,
      %gather3A_307 = tpu.vector_load_idx %arg13[%add3A_34, %broadcast_in_dim3A_305] : memref<512x64xf32, #tpu.memory_space<vmem>>[vector<16xi32>, vector<16xi32>], vector<16xf32>,
      %mul3A_308 = arith.mulf %gather3A_306, %gather3A_307 : vector<16xf32>
      %add3A_309 = arith.addf %add3A_303, %mul3A_308 : vector<16xf32>
      %broadcast_in_dim3A_310 = arith.constant 46 : i32
      %broadcast_in_dim3A_311 = vector.broadcast %broadcast_in_dim3A_310 : i32 to vector<16xi32>
      %gather3A_312 = tpu.vector_load_idx %arg12[%add3A_34, %broadcast_in_dim3A_311] : memref<512x64xf32, #tpu.memory_space<vmem>>[vector<16xi32>, vector<16xi32>], vector<16xf32>,
      %gather3A_313 = tpu.vector_load_idx %arg13[%add3A_34, %broadcast_in_dim3A_311] : memref<512x64xf32, #tpu.memory_space<vmem>>[vector<16xi32>, vector<16xi32>], vector<16xf32>,
      %mul3A_314 = arith.mulf %gather3A_312, %gather3A_313 : vector<16xf32>
      %add3A_315 = arith.addf %add3A_309, %mul3A_314 : vector<16xf32>
      %broadcast_in_dim3A_316 = arith.constant 47 : i32
      %broadcast_in_dim3A_317 = vector.broadcast %broadcast_in_dim3A_316 : i32 to vector<16xi32>
      %gather3A_318 = tpu.vector_load_idx %arg12[%add3A_34, %broadcast_in_dim3A_317] : memref<512x64xf32, #tpu.memory_space<vmem>>[vector<16xi32>, vector<16xi32>], vector<16xf32>,
      %gather3A_319 = tpu.vector_load_idx %arg13[%add3A_34, %broadcast_in_dim3A_317] : memref<512x64xf32, #tpu.memory_space<vmem>>[vector<16xi32>, vector<16xi32>], vector<16xf32>,
      %mul3A_320 = arith.mulf %gather3A_318, %gather3A_319 : vector<16xf32>
      %add3A_321 = arith.addf %add3A_315, %mul3A_320 : vector<16xf32>
      %broadcast_in_dim3A_322 = arith.constant 48 : i32
      %broadcast_in_dim3A_323 = vector.broadcast %broadcast_in_dim3A_322 : i32 to vector<16xi32>
      %gather3A_324 = tpu.vector_load_idx %arg12[%add3A_34, %broadcast_in_dim3A_323] : memref<512x64xf32, #tpu.memory_space<vmem>>[vector<16xi32>, vector<16xi32>], vector<16xf32>,
      %gather3A_325 = tpu.vector_load_idx %arg13[%add3A_34, %broadcast_in_dim3A_323] : memref<512x64xf32, #tpu.memory_space<vmem>>[vector<16xi32>, vector<16xi32>], vector<16xf32>,
      %mul3A_326 = arith.mulf %gather3A_324, %gather3A_325 : vector<16xf32>
      %add3A_327 = arith.addf %add3A_321, %mul3A_326 : vector<16xf32>
      %broadcast_in_dim3A_328 = arith.constant 49 : i32
      %broadcast_in_dim3A_329 = vector.broadcast %broadcast_in_dim3A_328 : i32 to vector<16xi32>
      %gather3A_330 = tpu.vector_load_idx %arg12[%add3A_34, %broadcast_in_dim3A_329] : memref<512x64xf32, #tpu.memory_space<vmem>>[vector<16xi32>, vector<16xi32>], vector<16xf32>,
      %gather3A_331 = tpu.vector_load_idx %arg13[%add3A_34, %broadcast_in_dim3A_329] : memref<512x64xf32, #tpu.memory_space<vmem>>[vector<16xi32>, vector<16xi32>], vector<16xf32>,
      %mul3A_332 = arith.mulf %gather3A_330, %gather3A_331 : vector<16xf32>
      %add3A_333 = arith.addf %add3A_327, %mul3A_332 : vector<16xf32>
      %broadcast_in_dim3A_334 = arith.constant 50 : i32
      %broadcast_in_dim3A_335 = vector.broadcast %broadcast_in_dim3A_334 : i32 to vector<16xi32>
      %gather3A_336 = tpu.vector_load_idx %arg12[%add3A_34, %broadcast_in_dim3A_335] : memref<512x64xf32, #tpu.memory_space<vmem>>[vector<16xi32>, vector<16xi32>], vector<16xf32>,
      %gather3A_337 = tpu.vector_load_idx %arg13[%add3A_34, %broadcast_in_dim3A_335] : memref<512x64xf32, #tpu.memory_space<vmem>>[vector<16xi32>, vector<16xi32>], vector<16xf32>,
      %mul3A_338 = arith.mulf %gather3A_336, %gather3A_337 : vector<16xf32>
      %add3A_339 = arith.addf %add3A_333, %mul3A_338 : vector<16xf32>
      %broadcast_in_dim3A_340 = arith.constant 51 : i32
      %broadcast_in_dim3A_341 = vector.broadcast %broadcast_in_dim3A_340 : i32 to vector<16xi32>
      %gather3A_342 = tpu.vector_load_idx %arg12[%add3A_34, %broadcast_in_dim3A_341] : memref<512x64xf32, #tpu.memory_space<vmem>>[vector<16xi32>, vector<16xi32>], vector<16xf32>,
      %gather3A_343 = tpu.vector_load_idx %arg13[%add3A_34, %broadcast_in_dim3A_341] : memref<512x64xf32, #tpu.memory_space<vmem>>[vector<16xi32>, vector<16xi32>], vector<16xf32>,
      %mul3A_344 = arith.mulf %gather3A_342, %gather3A_343 : vector<16xf32>
      %add3A_345 = arith.addf %add3A_339, %mul3A_344 : vector<16xf32>
      %broadcast_in_dim3A_346 = arith.constant 52 : i32
      %broadcast_in_dim3A_347 = vector.broadcast %broadcast_in_dim3A_346 : i32 to vector<16xi32>
      %gather3A_348 = tpu.vector_load_idx %arg12[%add3A_34, %broadcast_in_dim3A_347] : memref<512x64xf32, #tpu.memory_space<vmem>>[vector<16xi32>, vector<16xi32>], vector<16xf32>,
      %gather3A_349 = tpu.vector_load_idx %arg13[%add3A_34, %broadcast_in_dim3A_347] : memref<512x64xf32, #tpu.memory_space<vmem>>[vector<16xi32>, vector<16xi32>], vector<16xf32>,
      %mul3A_350 = arith.mulf %gather3A_348, %gather3A_349 : vector<16xf32>
      %add3A_351 = arith.addf %add3A_345, %mul3A_350 : vector<16xf32>
      %broadcast_in_dim3A_352 = arith.constant 53 : i32
      %broadcast_in_dim3A_353 = vector.broadcast %broadcast_in_dim3A_352 : i32 to vector<16xi32>
      %gather3A_354 = tpu.vector_load_idx %arg12[%add3A_34, %broadcast_in_dim3A_353] : memref<512x64xf32, #tpu.memory_space<vmem>>[vector<16xi32>, vector<16xi32>], vector<16xf32>,
      %gather3A_355 = tpu.vector_load_idx %arg13[%add3A_34, %broadcast_in_dim3A_353] : memref<512x64xf32, #tpu.memory_space<vmem>>[vector<16xi32>, vector<16xi32>], vector<16xf32>,
      %mul3A_356 = arith.mulf %gather3A_354, %gather3A_355 : vector<16xf32>
      %add3A_357 = arith.addf %add3A_351, %mul3A_356 : vector<16xf32>
      %broadcast_in_dim3A_358 = arith.constant 54 : i32
      %broadcast_in_dim3A_359 = vector.broadcast %broadcast_in_dim3A_358 : i32 to vector<16xi32>
      %gather3A_360 = tpu.vector_load_idx %arg12[%add3A_34, %broadcast_in_dim3A_359] : memref<512x64xf32, #tpu.memory_space<vmem>>[vector<16xi32>, vector<16xi32>], vector<16xf32>,
      %gather3A_361 = tpu.vector_load_idx %arg13[%add3A_34, %broadcast_in_dim3A_359] : memref<512x64xf32, #tpu.memory_space<vmem>>[vector<16xi32>, vector<16xi32>], vector<16xf32>,
      %mul3A_362 = arith.mulf %gather3A_360, %gather3A_361 : vector<16xf32>
      %add3A_363 = arith.addf %add3A_357, %mul3A_362 : vector<16xf32>
      %broadcast_in_dim3A_364 = arith.constant 55 : i32
      %broadcast_in_dim3A_365 = vector.broadcast %broadcast_in_dim3A_364 : i32 to vector<16xi32>
      %gather3A_366 = tpu.vector_load_idx %arg12[%add3A_34, %broadcast_in_dim3A_365] : memref<512x64xf32, #tpu.memory_space<vmem>>[vector<16xi32>, vector<16xi32>], vector<16xf32>,
      %gather3A_367 = tpu.vector_load_idx %arg13[%add3A_34, %broadcast_in_dim3A_365] : memref<512x64xf32, #tpu.memory_space<vmem>>[vector<16xi32>, vector<16xi32>], vector<16xf32>,
      %mul3A_368 = arith.mulf %gather3A_366, %gather3A_367 : vector<16xf32>
      %add3A_369 = arith.addf %add3A_363, %mul3A_368 : vector<16xf32>
      %broadcast_in_dim3A_370 = arith.constant 56 : i32
      %broadcast_in_dim3A_371 = vector.broadcast %broadcast_in_dim3A_370 : i32 to vector<16xi32>
      %gather3A_372 = tpu.vector_load_idx %arg12[%add3A_34, %broadcast_in_dim3A_371] : memref<512x64xf32, #tpu.memory_space<vmem>>[vector<16xi32>, vector<16xi32>], vector<16xf32>,
      %gather3A_373 = tpu.vector_load_idx %arg13[%add3A_34, %broadcast_in_dim3A_371] : memref<512x64xf32, #tpu.memory_space<vmem>>[vector<16xi32>, vector<16xi32>], vector<16xf32>,
      %mul3A_374 = arith.mulf %gather3A_372, %gather3A_373 : vector<16xf32>
      %add3A_375 = arith.addf %add3A_369, %mul3A_374 : vector<16xf32>
      %broadcast_in_dim3A_376 = arith.constant 57 : i32
      %broadcast_in_dim3A_377 = vector.broadcast %broadcast_in_dim3A_376 : i32 to vector<16xi32>
      %gather3A_378 = tpu.vector_load_idx %arg12[%add3A_34, %broadcast_in_dim3A_377] : memref<512x64xf32, #tpu.memory_space<vmem>>[vector<16xi32>, vector<16xi32>], vector<16xf32>,
      %gather3A_379 = tpu.vector_load_idx %arg13[%add3A_34, %broadcast_in_dim3A_377] : memref<512x64xf32, #tpu.memory_space<vmem>>[vector<16xi32>, vector<16xi32>], vector<16xf32>,
      %mul3A_380 = arith.mulf %gather3A_378, %gather3A_379 : vector<16xf32>
      %add3A_381 = arith.addf %add3A_375, %mul3A_380 : vector<16xf32>
      %broadcast_in_dim3A_382 = arith.constant 58 : i32
      %broadcast_in_dim3A_383 = vector.broadcast %broadcast_in_dim3A_382 : i32 to vector<16xi32>
      %gather3A_384 = tpu.vector_load_idx %arg12[%add3A_34, %broadcast_in_dim3A_383] : memref<512x64xf32, #tpu.memory_space<vmem>>[vector<16xi32>, vector<16xi32>], vector<16xf32>,
      %gather3A_385 = tpu.vector_load_idx %arg13[%add3A_34, %broadcast_in_dim3A_383] : memref<512x64xf32, #tpu.memory_space<vmem>>[vector<16xi32>, vector<16xi32>], vector<16xf32>,
      %mul3A_386 = arith.mulf %gather3A_384, %gather3A_385 : vector<16xf32>
      %add3A_387 = arith.addf %add3A_381, %mul3A_386 : vector<16xf32>
      %broadcast_in_dim3A_388 = arith.constant 59 : i32
      %broadcast_in_dim3A_389 = vector.broadcast %broadcast_in_dim3A_388 : i32 to vector<16xi32>
      %gather3A_390 = tpu.vector_load_idx %arg12[%add3A_34, %broadcast_in_dim3A_389] : memref<512x64xf32, #tpu.memory_space<vmem>>[vector<16xi32>, vector<16xi32>], vector<16xf32>,
      %gather3A_391 = tpu.vector_load_idx %arg13[%add3A_34, %broadcast_in_dim3A_389] : memref<512x64xf32, #tpu.memory_space<vmem>>[vector<16xi32>, vector<16xi32>], vector<16xf32>,
      %mul3A_392 = arith.mulf %gather3A_390, %gather3A_391 : vector<16xf32>
      %add3A_393 = arith.addf %add3A_387, %mul3A_392 : vector<16xf32>
      %broadcast_in_dim3A_394 = arith.constant 60 : i32
      %broadcast_in_dim3A_395 = vector.broadcast %broadcast_in_dim3A_394 : i32 to vector<16xi32>
      %gather3A_396 = tpu.vector_load_idx %arg12[%add3A_34, %broadcast_in_dim3A_395] : memref<512x64xf32, #tpu.memory_space<vmem>>[vector<16xi32>, vector<16xi32>], vector<16xf32>,
      %gather3A_397 = tpu.vector_load_idx %arg13[%add3A_34, %broadcast_in_dim3A_395] : memref<512x64xf32, #tpu.memory_space<vmem>>[vector<16xi32>, vector<16xi32>], vector<16xf32>,
      %mul3A_398 = arith.mulf %gather3A_396, %gather3A_397 : vector<16xf32>
      %add3A_399 = arith.addf %add3A_393, %mul3A_398 : vector<16xf32>
      %broadcast_in_dim3A_400 = arith.constant 61 : i32
      %broadcast_in_dim3A_401 = vector.broadcast %broadcast_in_dim3A_400 : i32 to vector<16xi32>
      %gather3A_402 = tpu.vector_load_idx %arg12[%add3A_34, %broadcast_in_dim3A_401] : memref<512x64xf32, #tpu.memory_space<vmem>>[vector<16xi32>, vector<16xi32>], vector<16xf32>,
      %gather3A_403 = tpu.vector_load_idx %arg13[%add3A_34, %broadcast_in_dim3A_401] : memref<512x64xf32, #tpu.memory_space<vmem>>[vector<16xi32>, vector<16xi32>], vector<16xf32>,
      %mul3A_404 = arith.mulf %gather3A_402, %gather3A_403 : vector<16xf32>
      %add3A_405 = arith.addf %add3A_399, %mul3A_404 : vector<16xf32>
      %broadcast_in_dim3A_406 = arith.constant 62 : i32
      %broadcast_in_dim3A_407 = vector.broadcast %broadcast_in_dim3A_406 : i32 to vector<16xi32>
      %gather3A_408 = tpu.vector_load_idx %arg12[%add3A_34, %broadcast_in_dim3A_407] : memref<512x64xf32, #tpu.memory_space<vmem>>[vector<16xi32>, vector<16xi32>], vector<16xf32>,
      %gather3A_409 = tpu.vector_load_idx %arg13[%add3A_34, %broadcast_in_dim3A_407] : memref<512x64xf32, #tpu.memory_space<vmem>>[vector<16xi32>, vector<16xi32>], vector<16xf32>,
      %mul3A_410 = arith.mulf %gather3A_408, %gather3A_409 : vector<16xf32>
      %add3A_411 = arith.addf %add3A_405, %mul3A_410 : vector<16xf32>
      %broadcast_in_dim3A_412 = arith.constant 63 : i32
      %broadcast_in_dim3A_413 = vector.broadcast %broadcast_in_dim3A_412 : i32 to vector<16xi32>
      %gather3A_414 = tpu.vector_load_idx %arg12[%add3A_34, %broadcast_in_dim3A_413] : memref<512x64xf32, #tpu.memory_space<vmem>>[vector<16xi32>, vector<16xi32>], vector<16xf32>,
      %gather3A_415 = tpu.vector_load_idx %arg13[%add3A_34, %broadcast_in_dim3A_413] : memref<512x64xf32, #tpu.memory_space<vmem>>[vector<16xi32>, vector<16xi32>], vector<16xf32>,
      %mul3A_416 = arith.mulf %gather3A_414, %gather3A_415 : vector<16xf32>
      %add3A_417 = arith.addf %add3A_411, %mul3A_416 : vector<16xf32>
      %gather3A_418 = tpu.vector_load_idx %arg14[%add3A_34] : memref<512xf32, #tpu.memory_space<vmem>>[vector<16xi32>], vector<16xf32>,
      %gather3A_419 = tpu.vector_load_idx %arg15[%add3A_34] : memref<512xf32, #tpu.memory_space<vmem>>[vector<16xi32>], vector<16xf32>,
      %add3A_420 = arith.addf %add3A_417, %gather3A_418 : vector<16xf32>
      %add3A_421 = arith.addf %add3A_420, %gather3A_419 : vector<16xf32>
      %add3A_422 = arith.addf %add3A_421, %get3A_22 : vector<16xf32>
      %mul3A_423 = arith.constant 16 : i32
      %mul3A_424 = arith.muli %scan3A_30, %mul3A_423 : i32
      %swap3A = arith.index_cast %mul3A_424 : i32 to index
      %swap3A_425 = tpu.vector_load %arg17[%swap3A] {strides = array<i32>} : memref<512xf32, #tpu.memory_space<vmem>>, vector<16xf32>,
      tpu.vector_store %arg17[%swap3A], %add3A_422 {strides = array<i32>} : memref<512xf32, #tpu.memory_space<vmem>>, vector<16xf32>,
    }
    %scan3A_29 = arith.constant 32 : i32
    "tpu.region"() ({
      %run_scoped3A = tpu.sem_alloc : memref<!tpu.dma_semaphore, #tpu.memory_space<semaphore_mem>>
      %dma_start3A_30 = tpu.memref_slice %arg9[%mul3A_2] : memref<16384xf32, #tpu.memory_space<hbm>> -> memref<512xf32, #tpu.memory_space<hbm>>
      %dma_start3A_31 = tpu.memref_slice %arg9[%mul3A_2] : memref<16384xf32, #tpu.memory_space<hbm>> -> memref<512xf32, #tpu.memory_space<hbm>>
      tpu.enqueue_dma source(%arg17 : memref<512xf32, #tpu.memory_space<vmem>>) target(%dma_start3A_31 : memref<512xf32, #tpu.memory_space<hbm>>) target_semaphore(%run_scoped3A : memref<!tpu.dma_semaphore, #tpu.memory_space<semaphore_mem>>)
      %dma_wait3A_32 = tpu.memref_slice %arg9[%mul3A_2] : memref<16384xf32, #tpu.memory_space<hbm>> -> memref<512xf32, #tpu.memory_space<hbm>>
      %dma_wait3A_33 = tpu.memref_slice %arg9[%mul3A_2] : memref<16384xf32, #tpu.memory_space<hbm>> -> memref<512xf32, #tpu.memory_space<hbm>>
      tpu.wait_dma2 semaphore(%run_scoped3A : memref<!tpu.dma_semaphore, #tpu.memory_space<semaphore_mem>>) src(%arg17 : memref<512xf32, #tpu.memory_space<vmem>>) dst(%dma_wait3A_33 : memref<512xf32, #tpu.memory_space<hbm>>)
      tpu.yield
    }) : () -> ()
    return
  }
}

</mosaic_0001>

<sc_bundles>
// kernel: _svd_sc.3.cloned.1.call-start
scs
__scs_entry_jumppad:
0x0: {  	(pc) =	sbr.rel $0x88, $3  }
0x1: {  	(tag) =	ssettag $0x0;
	lr =	simm.s32 $0x1  }
0x2: {  	[smem:$0x3F9A] =	sst lr;
	_ =	strace $0xD0000000  }
0x3: {  	_ = 	snop  }
0x4: {  	_ = 	snop  }
0x5: {  	_ = 	snop  }
0x6: {  	_ = 	snop  }
0x7: {  	_ = 	snop  }
__scs_overlays_trampoline_lowered:
0x8: {  	[smem:$0x3FA9] =	sst s0  }
0x9: {  	[smem:$0x3FAA] =	sst s1  }
0xa: {  	[smem:$0x3FAB] =	sst s2  }
0xb: {  	[smem:$0x3FAC] =	sst s3  }
0xc: {  	[smem:$0x3FAD] =	sst s4  }
0xd: {  	[smem:$0x3FAE] =	sst s5  }
0xe: {  	[smem:$0x3FAF] =	sst s6  }
0xf: {  	[smem:$0x3FB0] =	sst s7  }
0x10: {  	[smem:$0x3FB1] =	sst s8  }
0x11: {  	[smem:$0x3FB2] =	sst s9;
	s0 =	simm.s32 @!p0 $0x0  }
0x12: {  	s1 =	sld [smem:$0x3F98];
	s0 =	simm.s32 @p0 $0x1  }
0x13: {  	[smem:$0x3FB3] =	sst s0;
	s0 =	simm.s32 @!p1 $0x0  }
0x14: {  	s2 =	sld [smem:$0x3F97];
	s0 =	simm.s32 @p1 $0x1  }
0x15: {  	[smem:$0x3FB4] =	sst s0;
	s0 =	simm.s32 @!p2 $0x0  }
0x16: {  	s3 =	sld [smem:$0x3FDB];
	s0 =	simm.s32 @p2 $0x1  }
0x17: {  	s4 =	simm.s32 $0x1BF5;
	[smem:$0x3FB6] =	sst s0  }
0x18: {  	s0 =	sld [smem:$0x3F99];
	_ =	swait.ge [sflag:s4], $0x0  }
0x19: {  	s7 =	sld [smem:$0x3F9A]  }
0x1a: {  	s8 =	sadd.s32 $0xFFFFE003, lr  }
0x1b: {  	s9 =	sadd.s32 $0xFFFFFEF7, lr;
	s5 =	simm.s32 $0xFFFFFFFF;
	p2 =	slt.u32 s8, $0xFFFFF086  }
0x1c: {  	p1 =	slt.u32 s9, $0xF7A;
	s5 =	simm.s32 @!p2 $0x0  }
0x1d: {  	s5 =	simm.s32 @p1 $0x1;
	p0 =	seq.s32 s7, s2  }
0x1e: {  	s7 =	smul.u32 @!p0 $0xF7A, s2;
	p2 =	seq.s32 @!p0 s5, $0x0  }
0x1f: {  	s9 =	smul.u32 $0xF7A, s1;
	s8 =	simm.s32 @!p0 $0x1BF5;
	p2 =	por !p2, p0  }
0x20: {  	[sflag:s8] =	ssyncset.s32 @!p0 $0xFFFFF086;
	s6 =	sadd.s32 @!p0 s3, s7;
	s7 =	simm.s32 @!p0 $0x108  }
0x21: {  	s3 =	sadd.s32 s3, s9;
	s6 =	sadd.s32 @!p0 $0x88, s6;
	s7 =	simm.s32 @p2 $0x1082  }
0x22: {  	[simem:s7], [sflag:s8] =	dma.local @!p0 [hbm:s6], $0xF7A  }
0x23: {  	s9 =	sor.u32 $0xD0000000, s2;
	s6 =	simm.s32 $0x108;
	_ =	swait.ge @!p0 [sflag:s8], $0x0  }
0x24: {  	s3 =	sadd.s32 $0x88, s3;
	s6 =	simm.s32 @!p1 $0x1082;
	[sflag:s4] =	ssyncset.s32 $0xFFFFF086  }
0x25: {  	[simem:s6], [sflag:s4] =	dma.local [hbm:s3], $0xF7A  }
0x26: {  	[smem:$0x3F9A] =	sst s1;
	(tag) =	ssettag s2;
	_ =	strace s9  }
0x27: {  	s1 =	sld [smem:$0x3FAA]  }
0x28: {  	s2 =	sld [smem:$0x3FAB]  }
0x29: {  	s4 =	sld [smem:$0x3FAD]  }
0x2a: {  	p0 =	seq.s32 s5, $0x0;
	s5 =	sld [smem:$0x3FAE]  }
0x2b: {  	s6 =	sld [smem:$0x3FAF]  }
0x2c: {  	s7 =	sld [smem:$0x3FB0]  }
0x2d: {  	s3 =	simm.s32 $0x108;
	s8 =	sld [smem:$0x3FB1]  }
0x2e: {  	s3 =	simm.s32 @!p0 $0x1082;
	s9 =	sld [smem:$0x3FB2]  }
0x2f: {  	lr =	sadd.s32 s0, s3;
	s0 =	sld [smem:$0x3FA9]  }
0x30: {  	s3 =	sld [smem:$0x3FAC]  }
0x31: {  	[smem:$0x3FB5] =	sst s10  }
0x32: {  	s10 =	sld [smem:$0x3FB3];
	_ =	sdelay $0x3  }
0x33: {  	p0 =	seq.s32 s10, $0x1;
	s10 =	sld [smem:$0x3FB5];
	_ =	sdelay $0x3  }
0x34: {  	[smem:$0x3FB5] =	sst s10  }
0x35: {  	s10 =	sld [smem:$0x3FB4];
	_ =	sdelay $0x3  }
0x36: {  	p1 =	seq.s32 s10, $0x1;
	s10 =	sld [smem:$0x3FB5];
	_ =	sdelay $0x3  }
0x37: {  	[smem:$0x3FB5] =	sst s10  }
0x38: {  	s10 =	sld [smem:$0x3FB6]  }
0x39: {  	_ = 	snop;
	(pc) =	sbr.ind lr, $3  }
0x3a: {  	_ = 	snop  }
0x3b: {  	_ = 	snop  }
0x3c: {  	p2 =	seq.s32 s10, $0x1;
	s10 =	sld [smem:$0x3FB5]  }
0x3d: {  	_ =	shalt  }
0x3e: {  	_ =	shalt  }
0x3f: {  	_ =	shalt  }
0x40: {  	_ =	shalt  }
0x41: {  	_ =	shalt  }
0x42: {  	_ =	shalt  }
0x43: {  	_ =	shalt  }
0x44: {  	_ =	shalt  }
0x45: {  	_ =	shalt  }
0x46: {  	_ =	shalt  }
0x47: {  	_ =	shalt  }
0x48: {  	_ =	shalt  }
0x49: {  	_ =	shalt  }
0x4a: {  	_ =	shalt  }
0x4b: {  	_ =	shalt  }
0x4c: {  	_ =	shalt  }
0x4d: {  	_ =	shalt  }
0x4e: {  	_ =	shalt  }
0x4f: {  	_ =	shalt  }
0x50: {  	_ =	shalt  }
0x51: {  	_ =	shalt  }
0x52: {  	_ =	shalt  }
0x53: {  	_ =	shalt  }
0x54: {  	_ =	shalt  }
0x55: {  	_ =	shalt  }
0x56: {  	_ =	shalt  }
0x57: {  	_ =	shalt  }
0x58: {  	_ =	shalt  }
0x59: {  	_ =	shalt  }
0x5a: {  	_ =	shalt  }
0x5b: {  	_ =	shalt  }
0x5c: {  	_ =	shalt  }
0x5d: {  	_ =	shalt  }
0x5e: {  	_ =	shalt  }
0x5f: {  	_ =	shalt  }
0x60: {  	_ =	shalt  }
0x61: {  	_ =	shalt  }
0x62: {  	_ =	shalt  }
0x63: {  	_ =	shalt  }
0x64: {  	_ =	shalt  }
0x65: {  	_ =	shalt  }
0x66: {  	_ =	shalt  }
0x67: {  	_ =	shalt  }
0x68: {  	_ =	shalt  }
0x69: {  	_ =	shalt  }
0x6a: {  	_ =	shalt  }
0x6b: {  	_ =	shalt  }
0x6c: {  	_ =	shalt  }
0x6d: {  	_ =	shalt  }
0x6e: {  	_ =	shalt  }
0x6f: {  	_ =	shalt  }
0x70: {  	_ =	shalt  }
0x71: {  	_ =	shalt  }
0x72: {  	_ =	shalt  }
0x73: {  	_ =	shalt  }
0x74: {  	_ =	shalt  }
0x75: {  	_ =	shalt  }
0x76: {  	_ =	shalt  }
0x77: {  	_ =	shalt  }
0x78: {  	_ =	shalt  }
0x79: {  	_ =	shalt  }
0x7a: {  	_ =	shalt  }
0x7b: {  	_ =	shalt  }
0x7c: {  	_ =	shalt  }
0x7d: {  	_ =	shalt  }
0x7e: {  	_ =	shalt  }
0x7f: {  	_ =	shalt  }
0x80: {  	_ =	shalt  }
0x81: {  	_ =	shalt  }
0x82: {  	_ =	shalt  }
0x83: {  	_ =	shalt  }
0x84: {  	_ =	shalt  }
0x85: {  	_ =	shalt  }
0x86: {  	_ =	shalt  }
0x87: {  	_ =	shalt  }
.Lfunc_end0:
.L_simem_size_0:
called_computation_lowered:
.L_overlay_start_0:
0x88: {  	s2 =	sld [smem:$0x3FD9]  }
0x89: {  	s3 =	sld [smem:$0x3FFE];
	_ =	sdelay $0x1  }
0x8a: {  	s1 =	srdreg.scid  }
0x8b: {  	s0 =	sand.u32 $0x1, s1  }
0x8c: {  	s17 =	sshll.u32 s0, $0xA;
	s2 =	sadd.s32 s3, s2  }
0x8d: {  	s2 =	sadd.s32 s2, s17  }
0x8e: {  	[smem:$0x3FC1] =	sst s2  }
0x8f: {  	_ = 	snop  }
0x90: {  	s2 =	sld [smem:$0x3FC9]  }
0x91: {  	s18 =	sld [smem:$0x3FC8]  }
0x92: {  	s4 =	sld [smem:$0x3FC6]  }
0x93: {  	s5 =	sld [smem:$0x3FC4]  }
0x94: {  	s6 =	sld [smem:$0x3FC3]  }
0x95: {  	s7 =	sld [smem:$0x3FD0];
	(tm) =	ssettm $0x1  }
0x96: {  	s8 =	sld [smem:$0x3FFB];
	_ =	sdelay $0x3  }
0x97: {  	_ =	strace s8  }
0x98: {  	s8 =	sld [smem:$0x3FFC];
	_ =	sdelay $0x3  }
0x99: {  	_ =	strace s8  }
0x9a: {  	s8 =	sld [smem:$0x3FFD];
	_ =	sdelay $0x3  }
0x9b: {  	_ =	strace s8  }
0x9c: {  	_ =	strace $0x8FFFFFFF  }
0x9d: {  	s19 =	sld [smem:$0x3FDB];
	_ =	sdelay $0x1  }
0x9e: {  	s9 =	simm.s32 $_scs_section_size  }
0x9f: {  	s10 =	simm.s32 $_size__tile_overlayer_lowered;
	s11 =	simm.s32 $_tile_overlayer_lowered  }
0xa0: {  	s22 =	simm.s32 $0x1BFF;
	s21 =	sshll.u32 s11, $0x1;
	s8 =	sadd.s32 s9, s19  }
0xa1: {  	s12 =	simm.s32 $0x0;
	s20 =	sshll.u32 s10, $0x1;
	s10 =	sadd.s32 s21, s8  }
0xa2: {  	[timem:s12], [sflag:s22] =	dma.local [hbm:s10], s20  }
0xa3: {  	_ =	swait.ge [sflag:s22], s20  }
0xa4: {  	s9 =	ssub.s32 $0x0, s20;
	[sflag:s22] =	ssyncset.done $0x0  }
0xa5: {  	[sflag:s22] =	ssyncadd.s32 s9;
	_ =	sdelay $0x1  }
0xa6: {  	s23 =	simm.s32 $0x1B8B  }
0xa7: {  	_ =	swait.ge [sflag:s23], $0x1  }
0xa8: {  	[sflag:s23] =	ssyncset.done $0x0  }
0xa9: {  	s25 =	simm.s32 $0x1B8E;
	s24 =	sld [smem:$0x3FFE];
	[sflag:s23] =	ssyncadd.s32 $0xFFFFFFFF  }
0xaa: {  	s26 =	simm.s32 $execute0_lowered;
	[smem:$0x3FD2] =	sst s25  }
0xab: {  	s10 =	sshll.u32 s26, $0x1;
	_ =	strace $0x80000046;
	[dreg:$0x1] =	wrdreg $0xFFFFFFFF  }
0xac: {  	s28 =	simm.s32 $_size_execute0_lowered;
	s8 =	sadd.s32 s8, s10;
	[dreg:$0x0] =	wrdreg $0x0  }
0xad: {  	s10 =	sshll.u32 s28, $0x1;
	[dreg:$0x2] =	wrdreg s8  }
0xae: {  	[dreg:$0x3] =	wrdreg s10  }
0xaf: {  	[dreg:$0x4] =	wrdreg $0xC0  }
0xb0: {  	_ =	task [dreg:s12], $0x5FFFF  }
0xb1: {  	[dreg:$0x1] =	wrdreg $0xFFFFFFFF  }
0xb2: {  	[dreg:$0x0] =	wrdreg $0x60  }
0xb3: {  	[dreg:$0x2] =	wrdreg s2  }
0xb4: {  	[dreg:$0x3] =	wrdreg s18  }
0xb5: {  	[dreg:$0x4] =	wrdreg s24  }
0xb6: {  	[dreg:$0x5] =	wrdreg s4  }
0xb7: {  	[dreg:$0x6] =	wrdreg s5  }
0xb8: {  	[dreg:$0x7] =	wrdreg s6  }
0xb9: {  	[dreg:$0x8] =	wrdreg s7  }
0xba: {  	[dreg:$0x9] =	wrdreg $0x9  }
0xbb: {  	_ =	task.clear_ibuf [dreg:s12], $0xAFFFF;
	_ =	strace $0x90000046  }
0xbc: {  	s29 =	simm.s32 $0x9;
	_ =	strace $0x80000048  }
0xbd: {  	_ =	swait.ge [sflag:s29], $0x1  }
0xbe: {  	[sflag:s29] =	ssyncadd.s32 $0xFFFFFFFF  }
0xbf: {  	_ =	strace $0x90000048  }
0xc0: {  	_ =	sfence  }
0xc1: {  	s30 =	sld [smem:$0x0];
	_ =	sdelay $0x2  }
0xc2: {  	s31 =	sshll.u32 s1, $0xD;
	s1 =	sshrl.u32 s1, $0x2  }
0xc3: {  	s3 =	sand.u32 $0x4000, s31;
	s1 =	sadd.s32 s1, s30  }
0xc4: {  	s0 =	sor.u32 s3, s0;
	s1 =	sshll.u32 s1, $0x11  }
0xc5: {  	s0 =	sor.u32 s1, s0  }
0xc6: {  	s0 =	sadd.s32 $0x8F2B, s0  }
0xc7: {  	[sflag:s0] =	ssyncadd.remote.s32 $0x1  }
0xc8: {  	_ =	sfence.sel $0xFFFF  }
0xc9: {  	[dreg:$0x0] =	wrdreg $0xFFFFFFFF;
	(pc) =	sbr.abs _section_cstart, $3  }
0xca: {  	[dreg:$0x1] =	wrdreg $0xFFFFFFFF  }
0xcb: {  	_ =	task.clear_ibuf [dreg:s12], $0x2FFFF;
	_ =	strace $0x9FFFFFFF  }
0xcc: {  	(tm) =	ssettm $0x7FFFFFFF  }
0xcd: {  	_ =	shalt  }
tec
execute0_lowered:
.L_overlay_start_1:
0x0: {  	(tag) =	ssettag $0x1  }
0x1: {  	s8 =	rddreg [dreg:$0x0]  }
0x2: {  	s9 =	rddreg [dreg:$0x1]  }
0x3: {  	s7 =	rddreg [dreg:$0x2]  }
0x4: {  	s1 =	rddreg [dreg:$0x3]  }
0x5: {  	s2 =	rddreg [dreg:$0x4]  }
0x6: {  	s3 =	rddreg [dreg:$0x5]  }
0x7: {  	s10 =	rddreg [dreg:$0x6]  }
0x8: {  	s0 =	rddreg [dreg:$0x7];
	s4 =	simm.s32 $0x0  }
0x9: {  	s11 =	srdreg.scid;
	s5 =	stileid.u32;
	s15 =	simm.s32 $0x400  }
0xa: {  	s16 =	simm.s32 $0x8400;
	s17 =	simm.s32 $0x10400;
	s18 =	simm.s32 $0x10600  }
0xb: {  	s19 =	simm.s32 $0x1;
	s20 =	simm.s32 $0x10810;
	s21 =	simm.s32 $0x0  }
0xc: {  	[smem:$0x7FF] =	sst s4;
	s6 =	sadd.s32 $0xF42800, s7;
	s11 =	sand.u32 $0x1, s11  }
0xd: {  	s13 =	sshll.u32 s5, $0x7;
	s7 =	sadd.s32 $0x16E3A00, s7;
	s12 =	ssub.s32 $0x2, s11  }
0xe: {  	_ =	strace $0x80000047;
	s11 =	sshll.u32 s11, $0x6;
	s14 =	sshrl.u32 s12, $0x1  }
0xf: {  	s11 =	sor.u32 s11, s13;
	s13 =	simm.s32 $0x200;
	s12 =	ssub.s32 s12, s14  }
0x10: {  	v0 =	vlaneseq.u32;
	s8 =	sadd.s32 s8, s11;
	s9 =	sadd.s32 s9, s11;
	s10 =	sadd.s32 s10, s11  }
0x11: {  	v1 =	vor.u32 $0xFFFFFFF8, v0;
	s14 =	simm.s32 $0x10800;
	s11 =	smax.u32 s12, $0x1;
	s12 =	simm.s32 $0x2  }
.LBB2_1:
0x12: {  	[tilespmem:s4], [sflag:$0x2] =	stream.linear.gather [hbm4b:s8+s4], $0x200, $0x38;
	[tilespmem:$0x10A10] =	vst v63  }
0x13: {  	_ =	swait.ge [sflag:s12], $0x200  }
0x14: {  	[sflag:s12] =	ssyncset.done $0x0  }
0x15: {  	[sflag:s12] =	ssyncadd.s32 $0xFFFFFE00  }
0x16: {  	[tilespmem:s13], [sflag:$0x2] =	stream.linear.gather [hbm4b:s9+s4], $0x200, $0x38;
	[tilespmem:$0x10A10] =	vst v63  }
0x17: {  	_ =	swait.ge [sflag:s12], $0x200  }
0x18: {  	[sflag:s12] =	ssyncset.done $0x0  }
0x19: {  	[sflag:s12] =	ssyncadd.s32 $0xFFFFFE00  }
0x1a: {  	[tilespmem:s14], [sflag:$0x2] =	stream.linear.gather [hbm4b:s3+s4], $0x10, $0x38;
	[tilespmem:$0x10A10] =	vst v63  }
0x1b: {  	_ =	swait.ge [sflag:s12], $0x10  }
0x1c: {  	[sflag:s12] =	ssyncset.done $0x0  }
0x1d: {  	[sflag:s12] =	ssyncadd.s32 $0xFFFFFFF0  }
0x1e: {  	[tilespmem:s15], [sflag:$0x1] =	stream.indirect.gather [hbm4b:s6+s13], $0x40, s4, s13, $0xb8;
	[tilespmem:$0x10A10] =	vst v63  }
0x1f: {  	_ = 	snop  }
0x20: {  	[tilespmem:s16], [sflag:$0x1] =	stream.indirect.gather [hbm4b:s7+s13], $0x40, s13, s13, $0xb8;
	[tilespmem:$0x10A10] =	vst v63  }
0x21: {  	_ = 	snop  }
0x22: {  	[tilespmem:s17], [sflag:$0x1] =	stream.indirect.gather [hbm4b:s1+s13], $0x1, s4, s13, $0xb8;
	[tilespmem:$0x10A10] =	vst v63  }
0x23: {  	_ = 	snop  }
0x24: {  	[tilespmem:s18], [sflag:$0x1] =	stream.indirect.gather [hbm4b:s2+s13], $0x1, s13, s13, $0xb8;
	[tilespmem:$0x10A10] =	vst v63  }
0x25: {  	_ =	swait.ge [sflag:s19], $0x8000  }
0x26: {  	[sflag:s19] =	ssyncset.done $0x0  }
0x27: {  	[sflag:s19] =	ssyncadd.s32 $0xFFFF8000  }
0x28: {  	_ =	swait.ge [sflag:s19], $0x8000  }
0x29: {  	[sflag:s19] =	ssyncset.done $0x0  }
0x2a: {  	[sflag:s19] =	ssyncadd.s32 $0xFFFF8000  }
0x2b: {  	v2 =	vor.u32 s4, v0;
	_ =	swait.ge [sflag:s19], $0x200  }
0x2c: {  	v3 =	vshll.u32 v2, $0x6;
	[sflag:s19] =	ssyncset.done $0x0  }
0x2d: {  	[sflag:s19] =	ssyncadd.s32 $0xFFFFFE00  }
0x2e: {  	v4 =	vor.u32 $0x1, v3;
	_ =	swait.ge [sflag:s19], $0x200  }
0x2f: {  	[sflag:s19] =	ssyncset.done $0x0  }
0x30: {  	v5 =	vor.u32 $0x2, v3;
	[sflag:s19] =	ssyncadd.s32 $0xFFFFFE00  }
0x31: {  	v6 =	vld.idx.msk [tilespmem:v3+s16+$0x0], $0xffff  }
0x32: {  	v8 =	vor.u32 $0x3, v3;
	v7 =	vld.idx.msk [tilespmem:v3+s15+$0x0], $0xffff  }
0x33: {  	v9 =	vld.idx.msk [tilespmem:v4+s15+$0x0], $0xffff  }
0x34: {  	v10 =	vor.u32 $0x4, v3;
	v4 =	vld.idx.msk [tilespmem:v4+s16+$0x0], $0xffff  }
0x35: {  	v11 =	vld.idx.msk [tilespmem:v5+s15+$0x0], $0xffff  }
0x36: {  	v12 =	vor.u32 $0x5, v3;
	v5 =	vld.idx.msk [tilespmem:v5+s16+$0x0], $0xffff  }
0x37: {  	v13 =	vld.idx.msk [tilespmem:v8+s15+$0x0], $0xffff;
	v6 =	vmul.f32 v6, v7  }
0x38: {  	v37 =	vor.u32 $0x6, v3;
	v7 =	vld.idx.msk [tilespmem:v8+s16+$0x0], $0xffff  }
0x39: {  	v14 =	vld.idx.msk [tilespmem:v10+s15+$0x0], $0xffff;
	v4 =	vmul.f32 v4, v9;
	v6 =	vadd.f32 $0.0e+00, v6  }
0x3a: {  	v39 =	vor.u32 $0x7, v3;
	v38 =	vld.idx.msk [tilespmem:v10+s16+$0x0], $0xffff  }
0x3b: {  	v15 =	vld.idx.msk [tilespmem:v12+s15+$0x0], $0xffff;
	v5 =	vmul.f32 v5, v11;
	v4 =	vadd.f32 v4, v6  }
0x3c: {  	v40 =	vor.u32 $0x8, v3;
	v6 =	vld.idx.msk [tilespmem:v12+s16+$0x0], $0xffff  }
0x3d: {  	v41 =	vld.idx.msk [tilespmem:v37+s15+$0x0], $0xffff;
	v4 =	vadd.f32 v5, v4;
	v5 =	vmul.f32 v7, v13  }
0x3e: {  	v42 =	vor.u32 $0x9, v3;
	v7 =	vld.idx.msk [tilespmem:v37+s16+$0x0], $0xffff  }
0x3f: {  	v43 =	vld.idx.msk [tilespmem:v39+s15+$0x0], $0xffff;
	v4 =	vadd.f32 v5, v4;
	v5 =	vmul.f32 v38, v14  }
0x40: {  	v45 =	vor.u32 $0xA, v3;
	v44 =	vld.idx.msk [tilespmem:v39+s16+$0x0], $0xffff  }
0x41: {  	v46 =	vld.idx.msk [tilespmem:v40+s15+$0x0], $0xffff;
	v4 =	vadd.f32 v5, v4;
	v5 =	vmul.f32 v6, v15  }
0x42: {  	v47 =	vor.u32 $0xB, v3;
	v6 =	vld.idx.msk [tilespmem:v40+s16+$0x0], $0xffff  }
0x43: {  	v48 =	vld.idx.msk [tilespmem:v42+s15+$0x0], $0xffff;
	v4 =	vadd.f32 v5, v4;
	v5 =	vmul.f32 v7, v41  }
0x44: {  	v49 =	vor.u32 $0xC, v3;
	v7 =	vld.idx.msk [tilespmem:v42+s16+$0x0], $0xffff  }
0x45: {  	v50 =	vld.idx.msk [tilespmem:v45+s15+$0x0], $0xffff;
	v4 =	vadd.f32 v5, v4;
	v5 =	vmul.f32 v44, v43  }
0x46: {  	v52 =	vor.u32 $0xD, v3;
	v51 =	vld.idx.msk [tilespmem:v45+s16+$0x0], $0xffff  }
0x47: {  	v53 =	vld.idx.msk [tilespmem:v47+s15+$0x0], $0xffff;
	v4 =	vadd.f32 v5, v4;
	v5 =	vmul.f32 v6, v46  }
0x48: {  	v54 =	vor.u32 $0xE, v3;
	v6 =	vld.idx.msk [tilespmem:v47+s16+$0x0], $0xffff  }
0x49: {  	v55 =	vld.idx.msk [tilespmem:v49+s15+$0x0], $0xffff;
	v4 =	vadd.f32 v5, v4;
	v5 =	vmul.f32 v7, v48  }
0x4a: {  	v56 =	vor.u32 $0xF, v3;
	v7 =	vld.idx.msk [tilespmem:v49+s16+$0x0], $0xffff  }
0x4b: {  	v57 =	vld.idx.msk [tilespmem:v52+s15+$0x0], $0xffff;
	v4 =	vadd.f32 v5, v4;
	v5 =	vmul.f32 v51, v50  }
0x4c: {  	v59 =	vor.u32 $0x10, v3;
	v58 =	vld.idx.msk [tilespmem:v52+s16+$0x0], $0xffff  }
0x4d: {  	v60 =	vld.idx.msk [tilespmem:v54+s15+$0x0], $0xffff;
	v4 =	vadd.f32 v5, v4;
	v5 =	vmul.f32 v6, v53  }
0x4e: {  	v61 =	vor.u32 $0x11, v3;
	v6 =	vld.idx.msk [tilespmem:v54+s16+$0x0], $0xffff  }
0x4f: {  	v62 =	vld.idx.msk [tilespmem:v56+s15+$0x0], $0xffff;
	v4 =	vadd.f32 v5, v4;
	v5 =	vmul.f32 v7, v55  }
0x50: {  	v63 =	vor.u32 $0x12, v3;
	v7 =	vld.idx.msk [tilespmem:v56+s16+$0x0], $0xffff  }
0x51: {  	v18 =	vld.idx.msk [tilespmem:v59+s15+$0x0], $0xffff;
	v4 =	vadd.f32 v5, v4;
	v5 =	vmul.f32 v58, v57  }
0x52: {  	v20 =	vor.u32 $0x13, v3;
	v19 =	vld.idx.msk [tilespmem:v59+s16+$0x0], $0xffff  }
0x53: {  	v21 =	vld.idx.msk [tilespmem:v61+s15+$0x0], $0xffff;
	v4 =	vadd.f32 v5, v4;
	v5 =	vmul.f32 v6, v60  }
0x54: {  	v22 =	vor.u32 $0x14, v3;
	v6 =	vld.idx.msk [tilespmem:v61+s16+$0x0], $0xffff  }
0x55: {  	v23 =	vld.idx.msk [tilespmem:v63+s15+$0x0], $0xffff;
	v4 =	vadd.f32 v5, v4;
	v5 =	vmul.f32 v7, v62  }
0x56: {  	v24 =	vor.u32 $0x15, v3;
	v7 =	vld.idx.msk [tilespmem:v63+s16+$0x0], $0xffff  }
0x57: {  	v25 =	vld.idx.msk [tilespmem:v20+s15+$0x0], $0xffff;
	v4 =	vadd.f32 v5, v4;
	v5 =	vmul.f32 v19, v18  }
0x58: {  	v27 =	vor.u32 $0x16, v3;
	v26 =	vld.idx.msk [tilespmem:v20+s16+$0x0], $0xffff  }
0x59: {  	v28 =	vld.idx.msk [tilespmem:v22+s15+$0x0], $0xffff;
	v4 =	vadd.f32 v5, v4;
	v5 =	vmul.f32 v6, v21  }
0x5a: {  	v29 =	vor.u32 $0x17, v3;
	v6 =	vld.idx.msk [tilespmem:v22+s16+$0x0], $0xffff  }
0x5b: {  	v30 =	vld.idx.msk [tilespmem:v24+s15+$0x0], $0xffff;
	v4 =	vadd.f32 v5, v4;
	v5 =	vmul.f32 v7, v23  }
0x5c: {  	v31 =	vor.u32 $0x18, v3;
	v7 =	vld.idx.msk [tilespmem:v24+s16+$0x0], $0xffff  }
0x5d: {  	v32 =	vld.idx.msk [tilespmem:v27+s15+$0x0], $0xffff;
	v4 =	vadd.f32 v5, v4;
	v5 =	vmul.f32 v26, v25  }
0x5e: {  	v34 =	vor.u32 $0x19, v3;
	v33 =	vld.idx.msk [tilespmem:v27+s16+$0x0], $0xffff  }
0x5f: {  	v35 =	vld.idx.msk [tilespmem:v29+s15+$0x0], $0xffff;
	v4 =	vadd.f32 v5, v4;
	v5 =	vmul.f32 v6, v28  }
0x60: {  	v36 =	vor.u32 $0x1A, v3;
	v6 =	vld.idx.msk [tilespmem:v29+s16+$0x0], $0xffff  }
0x61: {  	v37 =	vld.idx.msk [tilespmem:v31+s15+$0x0], $0xffff;
	v4 =	vadd.f32 v5, v4;
	v5 =	vmul.f32 v7, v30  }
0x62: {  	v38 =	vor.u32 $0x1B, v3;
	v7 =	vld.idx.msk [tilespmem:v31+s16+$0x0], $0xffff  }
0x63: {  	v39 =	vld.idx.msk [tilespmem:v34+s15+$0x0], $0xffff;
	v4 =	vadd.f32 v5, v4;
	v5 =	vmul.f32 v33, v32  }
0x64: {  	v40 =	vld.idx.msk [tilespmem:v34+s16+$0x0], $0xffff;
	v41 =	vor.u32 $0x1C, v3  }
0x65: {  	v42 =	vld.idx.msk [tilespmem:v36+s15+$0x0], $0xffff;
	v4 =	vadd.f32 v5, v4;
	v5 =	vmul.f32 v6, v35  }
0x66: {  	v43 =	vor.u32 $0x1D, v3;
	v6 =	vld.idx.msk [tilespmem:v36+s16+$0x0], $0xffff  }
0x67: {  	v44 =	vld.idx.msk [tilespmem:v38+s15+$0x0], $0xffff;
	v4 =	vadd.f32 v5, v4;
	v5 =	vmul.f32 v7, v37  }
0x68: {  	v45 =	vor.u32 $0x1E, v3;
	v7 =	vld.idx.msk [tilespmem:v38+s16+$0x0], $0xffff  }
0x69: {  	v46 =	vld.idx.msk [tilespmem:v41+s15+$0x0], $0xffff;
	v4 =	vadd.f32 v5, v4;
	v5 =	vmul.f32 v40, v39  }
0x6a: {  	v47 =	vld.idx.msk [tilespmem:v41+s16+$0x0], $0xffff;
	v48 =	vor.u32 $0x1F, v3  }
0x6b: {  	v49 =	vld.idx.msk [tilespmem:v43+s15+$0x0], $0xffff;
	v4 =	vadd.f32 v5, v4;
	v5 =	vmul.f32 v6, v42  }
0x6c: {  	v50 =	vor.u32 $0x20, v3;
	v6 =	vld.idx.msk [tilespmem:v43+s16+$0x0], $0xffff  }
0x6d: {  	v51 =	vld.idx.msk [tilespmem:v45+s15+$0x0], $0xffff;
	v4 =	vadd.f32 v5, v4;
	v5 =	vmul.f32 v7, v44  }
0x6e: {  	v52 =	vor.u32 $0x21, v3;
	v7 =	vld.idx.msk [tilespmem:v45+s16+$0x0], $0xffff  }
0x6f: {  	v53 =	vld.idx.msk [tilespmem:v48+s15+$0x0], $0xffff;
	v4 =	vadd.f32 v5, v4;
	v5 =	vmul.f32 v47, v46  }
0x70: {  	v54 =	vld.idx.msk [tilespmem:v48+s16+$0x0], $0xffff;
	v55 =	vor.u32 $0x22, v3  }
0x71: {  	v56 =	vld.idx.msk [tilespmem:v50+s15+$0x0], $0xffff;
	v4 =	vadd.f32 v5, v4;
	v5 =	vmul.f32 v6, v49  }
0x72: {  	v57 =	vor.u32 $0x23, v3;
	v6 =	vld.idx.msk [tilespmem:v50+s16+$0x0], $0xffff  }
0x73: {  	v58 =	vld.idx.msk [tilespmem:v52+s15+$0x0], $0xffff;
	v4 =	vadd.f32 v5, v4;
	v5 =	vmul.f32 v7, v51  }
0x74: {  	v59 =	vor.u32 $0x24, v3;
	v7 =	vld.idx.msk [tilespmem:v52+s16+$0x0], $0xffff  }
0x75: {  	v60 =	vld.idx.msk [tilespmem:v55+s15+$0x0], $0xffff;
	v4 =	vadd.f32 v5, v4;
	v5 =	vmul.f32 v54, v53  }
0x76: {  	v61 =	vld.idx.msk [tilespmem:v55+s16+$0x0], $0xffff;
	v62 =	vor.u32 $0x25, v3  }
0x77: {  	v63 =	vld.idx.msk [tilespmem:v57+s15+$0x0], $0xffff;
	v4 =	vadd.f32 v5, v4;
	v5 =	vmul.f32 v6, v56  }
0x78: {  	v18 =	vor.u32 $0x26, v3;
	v6 =	vld.idx.msk [tilespmem:v57+s16+$0x0], $0xffff  }
0x79: {  	v19 =	vld.idx.msk [tilespmem:v59+s15+$0x0], $0xffff;
	v4 =	vadd.f32 v5, v4;
	v5 =	vmul.f32 v7, v58  }
0x7a: {  	v20 =	vor.u32 $0x27, v3;
	v7 =	vld.idx.msk [tilespmem:v59+s16+$0x0], $0xffff  }
0x7b: {  	v21 =	vld.idx.msk [tilespmem:v62+s15+$0x0], $0xffff;
	v4 =	vadd.f32 v5, v4;
	v5 =	vmul.f32 v61, v60  }
0x7c: {  	v22 =	vld.idx.msk [tilespmem:v62+s16+$0x0], $0xffff;
	v23 =	vor.u32 $0x28, v3  }
0x7d: {  	v24 =	vld.idx.msk [tilespmem:v18+s15+$0x0], $0xffff;
	v4 =	vadd.f32 v5, v4;
	v5 =	vmul.f32 v6, v63  }
0x7e: {  	v25 =	vor.u32 $0x29, v3;
	v6 =	vld.idx.msk [tilespmem:v18+s16+$0x0], $0xffff  }
0x7f: {  	v26 =	vld.idx.msk [tilespmem:v20+s15+$0x0], $0xffff;
	v4 =	vadd.f32 v5, v4;
	v5 =	vmul.f32 v7, v19  }
0x80: {  	v27 =	vor.u32 $0x2A, v3;
	v7 =	vld.idx.msk [tilespmem:v20+s16+$0x0], $0xffff  }
0x81: {  	v28 =	vld.idx.msk [tilespmem:v23+s15+$0x0], $0xffff;
	v4 =	vadd.f32 v5, v4;
	v5 =	vmul.f32 v22, v21  }
0x82: {  	v29 =	vld.idx.msk [tilespmem:v23+s16+$0x0], $0xffff;
	v30 =	vor.u32 $0x2B, v3  }
0x83: {  	v31 =	vld.idx.msk [tilespmem:v25+s15+$0x0], $0xffff;
	v4 =	vadd.f32 v5, v4;
	v5 =	vmul.f32 v6, v24  }
0x84: {  	v32 =	vor.u32 $0x2C, v3;
	v6 =	vld.idx.msk [tilespmem:v25+s16+$0x0], $0xffff  }
0x85: {  	v33 =	vld.idx.msk [tilespmem:v27+s15+$0x0], $0xffff;
	v4 =	vadd.f32 v5, v4;
	v5 =	vmul.f32 v7, v26  }
0x86: {  	v34 =	vor.u32 $0x2D, v3;
	v7 =	vld.idx.msk [tilespmem:v27+s16+$0x0], $0xffff  }
0x87: {  	v35 =	vld.idx.msk [tilespmem:v30+s15+$0x0], $0xffff;
	v4 =	vadd.f32 v5, v4;
	v5 =	vmul.f32 v29, v28  }
0x88: {  	v36 =	vld.idx.msk [tilespmem:v30+s16+$0x0], $0xffff;
	v37 =	vor.u32 $0x2E, v3  }
0x89: {  	v38 =	vld.idx.msk [tilespmem:v32+s15+$0x0], $0xffff;
	v4 =	vadd.f32 v5, v4;
	v5 =	vmul.f32 v6, v31  }
0x8a: {  	v39 =	vor.u32 $0x2F, v3;
	v6 =	vld.idx.msk [tilespmem:v32+s16+$0x0], $0xffff  }
0x8b: {  	v40 =	vld.idx.msk [tilespmem:v34+s15+$0x0], $0xffff;
	v4 =	vadd.f32 v5, v4;
	v5 =	vmul.f32 v7, v33  }
0x8c: {  	v41 =	vor.u32 $0x30, v3;
	v7 =	vld.idx.msk [tilespmem:v34+s16+$0x0], $0xffff  }
0x8d: {  	v42 =	vld.idx.msk [tilespmem:v37+s15+$0x0], $0xffff;
	v4 =	vadd.f32 v5, v4;
	v5 =	vmul.f32 v36, v35  }
0x8e: {  	v43 =	vld.idx.msk [tilespmem:v37+s16+$0x0], $0xffff;
	v44 =	vor.u32 $0x31, v3  }
0x8f: {  	v45 =	vld.idx.msk [tilespmem:v39+s15+$0x0], $0xffff;
	v4 =	vadd.f32 v5, v4;
	v5 =	vmul.f32 v6, v38  }
0x90: {  	v46 =	vor.u32 $0x32, v3;
	v6 =	vld.idx.msk [tilespmem:v39+s16+$0x0], $0xffff  }
0x91: {  	v47 =	vld.idx.msk [tilespmem:v41+s15+$0x0], $0xffff;
	v4 =	vadd.f32 v5, v4;
	v5 =	vmul.f32 v7, v40  }
0x92: {  	v48 =	vor.u32 $0x33, v3;
	v7 =	vld.idx.msk [tilespmem:v41+s16+$0x0], $0xffff  }
0x93: {  	v49 =	vld.idx.msk [tilespmem:v44+s15+$0x0], $0xffff;
	v4 =	vadd.f32 v5, v4;
	v5 =	vmul.f32 v43, v42  }
0x94: {  	v50 =	vld.idx.msk [tilespmem:v44+s16+$0x0], $0xffff;
	v51 =	vor.u32 $0x34, v3  }
0x95: {  	v52 =	vld.idx.msk [tilespmem:v46+s15+$0x0], $0xffff;
	v4 =	vadd.f32 v5, v4;
	v5 =	vmul.f32 v6, v45  }
0x96: {  	v53 =	vor.u32 $0x35, v3;
	v6 =	vld.idx.msk [tilespmem:v46+s16+$0x0], $0xffff  }
0x97: {  	v54 =	vld.idx.msk [tilespmem:v48+s15+$0x0], $0xffff;
	v4 =	vadd.f32 v5, v4;
	v5 =	vmul.f32 v7, v47  }
0x98: {  	v55 =	vor.u32 $0x36, v3;
	v7 =	vld.idx.msk [tilespmem:v48+s16+$0x0], $0xffff  }
0x99: {  	v56 =	vld.idx.msk [tilespmem:v51+s15+$0x0], $0xffff;
	v4 =	vadd.f32 v5, v4;
	v5 =	vmul.f32 v50, v49  }
0x9a: {  	v57 =	vld.idx.msk [tilespmem:v51+s16+$0x0], $0xffff;
	v58 =	vor.u32 $0x37, v3  }
0x9b: {  	v59 =	vld.idx.msk [tilespmem:v53+s15+$0x0], $0xffff;
	v4 =	vadd.f32 v5, v4;
	v5 =	vmul.f32 v6, v52  }
0x9c: {  	v60 =	vor.u32 $0x38, v3;
	v6 =	vld.idx.msk [tilespmem:v53+s16+$0x0], $0xffff  }
0x9d: {  	v61 =	vld.idx.msk [tilespmem:v55+s15+$0x0], $0xffff;
	v4 =	vadd.f32 v5, v4;
	v5 =	vmul.f32 v7, v54  }
0x9e: {  	v62 =	vor.u32 $0x39, v3;
	v7 =	vld.idx.msk [tilespmem:v55+s16+$0x0], $0xffff  }
0x9f: {  	v63 =	vld.idx.msk [tilespmem:v58+s15+$0x0], $0xffff;
	v4 =	vadd.f32 v5, v4;
	v5 =	vmul.f32 v57, v56  }
0xa0: {  	v18 =	vld.idx.msk [tilespmem:v58+s16+$0x0], $0xffff;
	v19 =	vor.u32 $0x3A, v3  }
0xa1: {  	v20 =	vld.idx.msk [tilespmem:v60+s15+$0x0], $0xffff;
	v4 =	vadd.f32 v5, v4;
	v5 =	vmul.f32 v6, v59  }
0xa2: {  	v21 =	vor.u32 $0x3B, v3;
	v6 =	vld.idx.msk [tilespmem:v60+s16+$0x0], $0xffff  }
0xa3: {  	v22 =	vld.idx.msk [tilespmem:v62+s15+$0x0], $0xffff;
	v4 =	vadd.f32 v5, v4;
	v5 =	vmul.f32 v7, v61  }
0xa4: {  	v23 =	vor.u32 $0x3C, v3;
	v7 =	vld.idx.msk [tilespmem:v62+s16+$0x0], $0xffff  }
0xa5: {  	v24 =	vld.idx.msk [tilespmem:v19+s15+$0x0], $0xffff;
	v4 =	vadd.f32 v5, v4;
	v5 =	vmul.f32 v18, v63  }
0xa6: {  	v25 =	vld.idx.msk [tilespmem:v19+s16+$0x0], $0xffff;
	v26 =	vor.u32 $0x3D, v3  }
0xa7: {  	v27 =	vld.idx.msk [tilespmem:v21+s15+$0x0], $0xffff;
	v4 =	vadd.f32 v5, v4;
	v5 =	vmul.f32 v6, v20  }
0xa8: {  	v28 =	vor.u32 $0x3E, v3;
	v6 =	vld.idx.msk [tilespmem:v21+s16+$0x0], $0xffff  }
0xa9: {  	v29 =	vld.idx.msk [tilespmem:v23+s15+$0x0], $0xffff;
	v4 =	vadd.f32 v5, v4;
	v5 =	vmul.f32 v7, v22  }
0xaa: {  	v3 =	vor.u32 $0x3F, v3;
	v7 =	vld.idx.msk [tilespmem:v23+s16+$0x0], $0xffff  }
0xab: {  	v30 =	vld.idx.msk [tilespmem:v26+s15+$0x0], $0xffff;
	v4 =	vadd.f32 v5, v4;
	v5 =	vmul.f32 v25, v24  }
0xac: {  	v31 =	vld.idx.msk [tilespmem:v26+s16+$0x0], $0xffff  }
0xad: {  	v32 =	vld.idx.msk [tilespmem:v28+s15+$0x0], $0xffff;
	v4 =	vadd.f32 v5, v4;
	v5 =	vmul.f32 v6, v27  }
0xae: {  	v6 =	vld.idx.msk [tilespmem:v28+s16+$0x0], $0xffff  }
0xaf: {  	v2 =	vand.u32 v1, v2;
	v33 =	vld.idx.msk [tilespmem:v3+s15+$0x0], $0xffff;
	v4 =	vadd.f32 v5, v4;
	v5 =	vmul.f32 v7, v29  }
0xb0: {  	v3 =	vld.idx.msk [tilespmem:v3+s16+$0x0], $0xffff  }
0xb1: {  	v4 =	vadd.f32 v5, v4;
	v5 =	vmul.f32 v31, v30;
	_ =	sdelay $0x1  }
0xb2: {  	v4 =	vadd.f32 v5, v4;
	v5 =	vmul.f32 v6, v32  }
0xb3: {  	v6 =	vld.idx.msk [tilespmem:v2+s17+$0x0], $0xffff  }
0xb4: {  	v3 =	vmul.f32 v3, v33;
	v4 =	vadd.f32 v5, v4  }
0xb5: {  	v5 =	vld.idx.msk [tilespmem:v2+s18+$0x0], $0xffff  }
0xb6: {  	v3 =	vadd.f32 v3, v4  }
0xb7: {  	v2 =	vld [tilespmem:$0x10800]  }
0xb8: {  	s22 =	simm.s32 $0x10;
	v6 =	vadd.f32 v3, v6  }
0xb9: {  	v3 =	vor.u32 s22, v0  }
0xba: {  	v4 =	vshll.u32 v3, $0x6;
	v5 =	vadd.f32 v6, v5;
	_ =	sdelay $0x1  }
0xbb: {  	v6 =	vor.u32 $0x1, v4;
	v5 =	vadd.f32 v5, v2;
	_ =	sdelay $0x1  }
0xbc: {  	v7 =	vor.u32 $0x2, v4;
	[tilespmem:s20+$0x0] =	vst v5  }
0xbd: {  	v5 =	vld.idx.msk [tilespmem:v4+s16+$0x0], $0xffff  }
0xbe: {  	v35 =	vor.u32 $0x3, v4;
	v34 =	vld.idx.msk [tilespmem:v4+s15+$0x0], $0xffff  }
0xbf: {  	v36 =	vld.idx.msk [tilespmem:v6+s15+$0x0], $0xffff  }
0xc0: {  	v37 =	vor.u32 $0x4, v4;
	v6 =	vld.idx.msk [tilespmem:v6+s16+$0x0], $0xffff  }
0xc1: {  	v38 =	vld.idx.msk [tilespmem:v7+s15+$0x0], $0xffff  }
0xc2: {  	v39 =	vor.u32 $0x5, v4;
	v7 =	vld.idx.msk [tilespmem:v7+s16+$0x0], $0xffff  }
0xc3: {  	v40 =	vld.idx.msk [tilespmem:v35+s15+$0x0], $0xffff;
	v5 =	vmul.f32 v5, v34  }
0xc4: {  	v42 =	vor.u32 $0x6, v4;
	v41 =	vld.idx.msk [tilespmem:v35+s16+$0x0], $0xffff  }
0xc5: {  	v43 =	vld.idx.msk [tilespmem:v37+s15+$0x0], $0xffff;
	v6 =	vmul.f32 v6, v36;
	v5 =	vadd.f32 $0.0e+00, v5  }
0xc6: {  	v45 =	vor.u32 $0x7, v4;
	v44 =	vld.idx.msk [tilespmem:v37+s16+$0x0], $0xffff  }
0xc7: {  	v16 =	vld.idx.msk [tilespmem:v39+s15+$0x0], $0xffff;
	v5 =	vadd.f32 v6, v5;
	v6 =	vmul.f32 v7, v38  }
0xc8: {  	v46 =	vor.u32 $0x8, v4;
	v7 =	vld.idx.msk [tilespmem:v39+s16+$0x0], $0xffff  }
0xc9: {  	v47 =	vld.idx.msk [tilespmem:v42+s15+$0x0], $0xffff;
	v5 =	vadd.f32 v6, v5;
	v6 =	vmul.f32 v41, v40  }
0xca: {  	v49 =	vor.u32 $0x9, v4;
	v48 =	vld.idx.msk [tilespmem:v42+s16+$0x0], $0xffff  }
0xcb: {  	v50 =	vld.idx.msk [tilespmem:v45+s15+$0x0], $0xffff;
	v5 =	vadd.f32 v6, v5;
	v6 =	vmul.f32 v44, v43  }
0xcc: {  	v52 =	vor.u32 $0xA, v4;
	v51 =	vld.idx.msk [tilespmem:v45+s16+$0x0], $0xffff  }
0xcd: {  	v53 =	vld.idx.msk [tilespmem:v46+s15+$0x0], $0xffff;
	v5 =	vadd.f32 v6, v5;
	v6 =	vmul.f32 v7, v16  }
0xce: {  	v54 =	vor.u32 $0xB, v4;
	v7 =	vld.idx.msk [tilespmem:v46+s16+$0x0], $0xffff  }
0xcf: {  	v55 =	vld.idx.msk [tilespmem:v49+s15+$0x0], $0xffff;
	v5 =	vadd.f32 v6, v5;
	v6 =	vmul.f32 v48, v47  }
0xd0: {  	v57 =	vor.u32 $0xC, v4;
	v56 =	vld.idx.msk [tilespmem:v49+s16+$0x0], $0xffff  }
0xd1: {  	v58 =	vld.idx.msk [tilespmem:v52+s15+$0x0], $0xffff;
	v5 =	vadd.f32 v6, v5;
	v6 =	vmul.f32 v51, v50  }
0xd2: {  	v60 =	vor.u32 $0xD, v4;
	v59 =	vld.idx.msk [tilespmem:v52+s16+$0x0], $0xffff  }
0xd3: {  	v61 =	vld.idx.msk [tilespmem:v54+s15+$0x0], $0xffff;
	v5 =	vadd.f32 v6, v5;
	v6 =	vmul.f32 v7, v53  }
0xd4: {  	v62 =	vor.u32 $0xE, v4;
	v7 =	vld.idx.msk [tilespmem:v54+s16+$0x0], $0xffff  }
0xd5: {  	v63 =	vld.idx.msk [tilespmem:v57+s15+$0x0], $0xffff;
	v5 =	vadd.f32 v6, v5;
	v6 =	vmul.f32 v56, v55  }
0xd6: {  	v21 =	vor.u32 $0xF, v4;
	v20 =	vld.idx.msk [tilespmem:v57+s16+$0x0], $0xffff  }
0xd7: {  	v22 =	vld.idx.msk [tilespmem:v60+s15+$0x0], $0xffff;
	v5 =	vadd.f32 v6, v5;
	v6 =	vmul.f32 v59, v58  }
0xd8: {  	v24 =	vor.u32 $0x10, v4;
	v23 =	vld.idx.msk [tilespmem:v60+s16+$0x0], $0xffff  }
0xd9: {  	v25 =	vld.idx.msk [tilespmem:v62+s15+$0x0], $0xffff;
	v5 =	vadd.f32 v6, v5;
	v6 =	vmul.f32 v7, v61  }
0xda: {  	v26 =	vor.u32 $0x11, v4;
	v7 =	vld.idx.msk [tilespmem:v62+s16+$0x0], $0xffff  }
0xdb: {  	v27 =	vld.idx.msk [tilespmem:v21+s15+$0x0], $0xffff;
	v5 =	vadd.f32 v6, v5;
	v6 =	vmul.f32 v20, v63  }
0xdc: {  	v29 =	vor.u32 $0x12, v4;
	v28 =	vld.idx.msk [tilespmem:v21+s16+$0x0], $0xffff  }
0xdd: {  	v30 =	vld.idx.msk [tilespmem:v24+s15+$0x0], $0xffff;
	v5 =	vadd.f32 v6, v5;
	v6 =	vmul.f32 v23, v22  }
0xde: {  	v32 =	vor.u32 $0x13, v4;
	v31 =	vld.idx.msk [tilespmem:v24+s16+$0x0], $0xffff  }
0xdf: {  	v33 =	vld.idx.msk [tilespmem:v26+s15+$0x0], $0xffff;
	v5 =	vadd.f32 v6, v5;
	v6 =	vmul.f32 v7, v25  }
0xe0: {  	v34 =	vor.u32 $0x14, v4;
	v7 =	vld.idx.msk [tilespmem:v26+s16+$0x0], $0xffff  }
0xe1: {  	v35 =	vld.idx.msk [tilespmem:v29+s15+$0x0], $0xffff;
	v5 =	vadd.f32 v6, v5;
	v6 =	vmul.f32 v28, v27  }
0xe2: {  	v37 =	vor.u32 $0x15, v4;
	v36 =	vld.idx.msk [tilespmem:v29+s16+$0x0], $0xffff  }
0xe3: {  	v38 =	vld.idx.msk [tilespmem:v32+s15+$0x0], $0xffff;
	v5 =	vadd.f32 v6, v5;
	v6 =	vmul.f32 v31, v30  }
0xe4: {  	v39 =	vld.idx.msk [tilespmem:v32+s16+$0x0], $0xffff;
	v40 =	vor.u32 $0x16, v4  }
0xe5: {  	v41 =	vld.idx.msk [tilespmem:v34+s15+$0x0], $0xffff;
	v5 =	vadd.f32 v6, v5;
	v6 =	vmul.f32 v7, v33  }
0xe6: {  	v42 =	vor.u32 $0x17, v4;
	v7 =	vld.idx.msk [tilespmem:v34+s16+$0x0], $0xffff  }
0xe7: {  	v43 =	vld.idx.msk [tilespmem:v37+s15+$0x0], $0xffff;
	v5 =	vadd.f32 v6, v5;
	v6 =	vmul.f32 v36, v35  }
0xe8: {  	v45 =	vor.u32 $0x18, v4;
	v44 =	vld.idx.msk [tilespmem:v37+s16+$0x0], $0xffff  }
0xe9: {  	v46 =	vld.idx.msk [tilespmem:v40+s15+$0x0], $0xffff;
	v5 =	vadd.f32 v6, v5;
	v6 =	vmul.f32 v39, v38  }
0xea: {  	v47 =	vld.idx.msk [tilespmem:v40+s16+$0x0], $0xffff;
	v48 =	vor.u32 $0x19, v4  }
0xeb: {  	v49 =	vld.idx.msk [tilespmem:v42+s15+$0x0], $0xffff;
	v5 =	vadd.f32 v6, v5;
	v6 =	vmul.f32 v7, v41  }
0xec: {  	v50 =	vor.u32 $0x1A, v4;
	v7 =	vld.idx.msk [tilespmem:v42+s16+$0x0], $0xffff  }
0xed: {  	v52 =	vld.idx.msk [tilespmem:v45+s16+$0x0], $0xffff;
	v5 =	vadd.f32 v6, v5;
	v6 =	vmul.f32 v44, v43  }
0xee: {  	v51 =	vld.idx.msk [tilespmem:v45+s15+$0x0], $0xffff;
	v53 =	vor.u32 $0x1B, v4  }
0xef: {  	v54 =	vld.idx.msk [tilespmem:v48+s15+$0x0], $0xffff;
	v5 =	vadd.f32 v6, v5;
	v6 =	vmul.f32 v47, v46  }
0xf0: {  	v55 =	vld.idx.msk [tilespmem:v48+s16+$0x0], $0xffff;
	v56 =	vor.u32 $0x1C, v4  }
0xf1: {  	v57 =	vld.idx.msk [tilespmem:v50+s15+$0x0], $0xffff;
	v5 =	vadd.f32 v6, v5;
	v6 =	vmul.f32 v7, v49  }
0xf2: {  	v58 =	vor.u32 $0x1D, v4;
	v7 =	vld.idx.msk [tilespmem:v50+s16+$0x0], $0xffff  }
0xf3: {  	v59 =	vld.idx.msk [tilespmem:v53+s15+$0x0], $0xffff;
	v5 =	vadd.f32 v6, v5;
	v6 =	vmul.f32 v52, v51  }
0xf4: {  	v60 =	vld.idx.msk [tilespmem:v53+s16+$0x0], $0xffff;
	v61 =	vor.u32 $0x1E, v4  }
0xf5: {  	v62 =	vld.idx.msk [tilespmem:v56+s15+$0x0], $0xffff;
	v5 =	vadd.f32 v6, v5;
	v6 =	vmul.f32 v55, v54  }
0xf6: {  	v63 =	vld.idx.msk [tilespmem:v56+s16+$0x0], $0xffff;
	v20 =	vor.u32 $0x1F, v4  }
0xf7: {  	v21 =	vld.idx.msk [tilespmem:v58+s15+$0x0], $0xffff;
	v5 =	vadd.f32 v6, v5;
	v6 =	vmul.f32 v7, v57  }
0xf8: {  	v22 =	vor.u32 $0x20, v4;
	v7 =	vld.idx.msk [tilespmem:v58+s16+$0x0], $0xffff  }
0xf9: {  	v23 =	vld.idx.msk [tilespmem:v61+s15+$0x0], $0xffff;
	v5 =	vadd.f32 v6, v5;
	v6 =	vmul.f32 v60, v59  }
0xfa: {  	v24 =	vld.idx.msk [tilespmem:v61+s16+$0x0], $0xffff;
	v25 =	vor.u32 $0x21, v4  }
0xfb: {  	v26 =	vld.idx.msk [tilespmem:v20+s15+$0x0], $0xffff;
	v5 =	vadd.f32 v6, v5;
	v6 =	vmul.f32 v63, v62  }
0xfc: {  	v27 =	vld.idx.msk [tilespmem:v20+s16+$0x0], $0xffff;
	v28 =	vor.u32 $0x22, v4  }
0xfd: {  	v29 =	vld.idx.msk [tilespmem:v22+s15+$0x0], $0xffff;
	v5 =	vadd.f32 v6, v5;
	v6 =	vmul.f32 v7, v21  }
0xfe: {  	v30 =	vor.u32 $0x23, v4;
	v7 =	vld.idx.msk [tilespmem:v22+s16+$0x0], $0xffff  }
0xff: {  	v31 =	vld.idx.msk [tilespmem:v25+s15+$0x0], $0xffff;
	v5 =	vadd.f32 v6, v5;
	v6 =	vmul.f32 v24, v23  }
0x100: {  	v32 =	vld.idx.msk [tilespmem:v25+s16+$0x0], $0xffff;
	v33 =	vor.u32 $0x24, v4  }
0x101: {  	v34 =	vld.idx.msk [tilespmem:v28+s15+$0x0], $0xffff;
	v5 =	vadd.f32 v6, v5;
	v6 =	vmul.f32 v27, v26  }
0x102: {  	v35 =	vld.idx.msk [tilespmem:v28+s16+$0x0], $0xffff;
	v36 =	vor.u32 $0x25, v4  }
0x103: {  	v37 =	vld.idx.msk [tilespmem:v30+s15+$0x0], $0xffff;
	v5 =	vadd.f32 v6, v5;
	v6 =	vmul.f32 v7, v29  }
0x104: {  	v38 =	vor.u32 $0x26, v4;
	v7 =	vld.idx.msk [tilespmem:v30+s16+$0x0], $0xffff  }
0x105: {  	v39 =	vld.idx.msk [tilespmem:v33+s15+$0x0], $0xffff;
	v5 =	vadd.f32 v6, v5;
	v6 =	vmul.f32 v32, v31  }
0x106: {  	v40 =	vld.idx.msk [tilespmem:v33+s16+$0x0], $0xffff;
	v41 =	vor.u32 $0x27, v4  }
0x107: {  	v42 =	vld.idx.msk [tilespmem:v36+s15+$0x0], $0xffff;
	v5 =	vadd.f32 v6, v5;
	v6 =	vmul.f32 v35, v34  }
0x108: {  	v43 =	vld.idx.msk [tilespmem:v36+s16+$0x0], $0xffff;
	v44 =	vor.u32 $0x28, v4  }
0x109: {  	v45 =	vld.idx.msk [tilespmem:v38+s15+$0x0], $0xffff;
	v5 =	vadd.f32 v6, v5;
	v6 =	vmul.f32 v7, v37  }
0x10a: {  	v46 =	vor.u32 $0x29, v4;
	v7 =	vld.idx.msk [tilespmem:v38+s16+$0x0], $0xffff  }
0x10b: {  	v47 =	vld.idx.msk [tilespmem:v41+s15+$0x0], $0xffff;
	v5 =	vadd.f32 v6, v5;
	v6 =	vmul.f32 v40, v39  }
0x10c: {  	v48 =	vld.idx.msk [tilespmem:v41+s16+$0x0], $0xffff;
	v49 =	vor.u32 $0x2A, v4  }
0x10d: {  	v50 =	vld.idx.msk [tilespmem:v44+s15+$0x0], $0xffff;
	v5 =	vadd.f32 v6, v5;
	v6 =	vmul.f32 v43, v42  }
0x10e: {  	v51 =	vld.idx.msk [tilespmem:v44+s16+$0x0], $0xffff;
	v52 =	vor.u32 $0x2B, v4  }
0x10f: {  	v53 =	vld.idx.msk [tilespmem:v46+s15+$0x0], $0xffff;
	v5 =	vadd.f32 v6, v5;
	v6 =	vmul.f32 v7, v45  }
0x110: {  	v54 =	vor.u32 $0x2C, v4;
	v7 =	vld.idx.msk [tilespmem:v46+s16+$0x0], $0xffff  }
0x111: {  	v55 =	vld.idx.msk [tilespmem:v49+s15+$0x0], $0xffff;
	v5 =	vadd.f32 v6, v5;
	v6 =	vmul.f32 v48, v47  }
0x112: {  	v56 =	vld.idx.msk [tilespmem:v49+s16+$0x0], $0xffff;
	v57 =	vor.u32 $0x2D, v4  }
0x113: {  	v58 =	vld.idx.msk [tilespmem:v52+s15+$0x0], $0xffff;
	v5 =	vadd.f32 v6, v5;
	v6 =	vmul.f32 v51, v50  }
0x114: {  	v59 =	vld.idx.msk [tilespmem:v52+s16+$0x0], $0xffff;
	v60 =	vor.u32 $0x2E, v4  }
0x115: {  	v61 =	vld.idx.msk [tilespmem:v54+s15+$0x0], $0xffff;
	v5 =	vadd.f32 v6, v5;
	v6 =	vmul.f32 v7, v53  }
0x116: {  	v62 =	vor.u32 $0x2F, v4;
	v7 =	vld.idx.msk [tilespmem:v54+s16+$0x0], $0xffff  }
0x117: {  	v63 =	vld.idx.msk [tilespmem:v57+s15+$0x0], $0xffff;
	v5 =	vadd.f32 v6, v5;
	v6 =	vmul.f32 v56, v55  }
0x118: {  	v20 =	vor.u32 $0x30, v4;
	v19 =	vld.idx.msk [tilespmem:v57+s16+$0x0], $0xffff  }
0x119: {  	v21 =	vld.idx.msk [tilespmem:v60+s15+$0x0], $0xffff;
	v5 =	vadd.f32 v6, v5;
	v6 =	vmul.f32 v59, v58  }
0x11a: {  	v22 =	vld.idx.msk [tilespmem:v60+s16+$0x0], $0xffff;
	v23 =	vor.u32 $0x31, v4  }
0x11b: {  	v24 =	vld.idx.msk [tilespmem:v62+s15+$0x0], $0xffff;
	v5 =	vadd.f32 v6, v5;
	v6 =	vmul.f32 v7, v61  }
0x11c: {  	v25 =	vor.u32 $0x32, v4;
	v7 =	vld.idx.msk [tilespmem:v62+s16+$0x0], $0xffff  }
0x11d: {  	v26 =	vld.idx.msk [tilespmem:v20+s15+$0x0], $0xffff;
	v5 =	vadd.f32 v6, v5;
	v6 =	vmul.f32 v19, v63  }
0x11e: {  	v28 =	vor.u32 $0x33, v4;
	v27 =	vld.idx.msk [tilespmem:v20+s16+$0x0], $0xffff  }
0x11f: {  	v29 =	vld.idx.msk [tilespmem:v23+s15+$0x0], $0xffff;
	v5 =	vadd.f32 v6, v5;
	v6 =	vmul.f32 v22, v21  }
0x120: {  	v30 =	vld.idx.msk [tilespmem:v23+s16+$0x0], $0xffff;
	v31 =	vor.u32 $0x34, v4  }
0x121: {  	v32 =	vld.idx.msk [tilespmem:v25+s15+$0x0], $0xffff;
	v5 =	vadd.f32 v6, v5;
	v6 =	vmul.f32 v7, v24  }
0x122: {  	v33 =	vor.u32 $0x35, v4;
	v7 =	vld.idx.msk [tilespmem:v25+s16+$0x0], $0xffff  }
0x123: {  	v34 =	vld.idx.msk [tilespmem:v28+s15+$0x0], $0xffff;
	v5 =	vadd.f32 v6, v5;
	v6 =	vmul.f32 v27, v26  }
0x124: {  	v36 =	vor.u32 $0x36, v4;
	v35 =	vld.idx.msk [tilespmem:v28+s16+$0x0], $0xffff  }
0x125: {  	v37 =	vld.idx.msk [tilespmem:v31+s15+$0x0], $0xffff;
	v5 =	vadd.f32 v6, v5;
	v6 =	vmul.f32 v30, v29  }
0x126: {  	v38 =	vld.idx.msk [tilespmem:v31+s16+$0x0], $0xffff;
	v39 =	vor.u32 $0x37, v4  }
0x127: {  	v40 =	vld.idx.msk [tilespmem:v33+s15+$0x0], $0xffff;
	v5 =	vadd.f32 v6, v5;
	v6 =	vmul.f32 v7, v32  }
0x128: {  	v41 =	vor.u32 $0x38, v4;
	v7 =	vld.idx.msk [tilespmem:v33+s16+$0x0], $0xffff  }
0x129: {  	v42 =	vld.idx.msk [tilespmem:v36+s15+$0x0], $0xffff;
	v5 =	vadd.f32 v6, v5;
	v6 =	vmul.f32 v35, v34  }
0x12a: {  	v44 =	vor.u32 $0x39, v4;
	v43 =	vld.idx.msk [tilespmem:v36+s16+$0x0], $0xffff  }
0x12b: {  	v45 =	vld.idx.msk [tilespmem:v39+s15+$0x0], $0xffff;
	v5 =	vadd.f32 v6, v5;
	v6 =	vmul.f32 v38, v37  }
0x12c: {  	v46 =	vld.idx.msk [tilespmem:v39+s16+$0x0], $0xffff;
	v47 =	vor.u32 $0x3A, v4  }
0x12d: {  	v48 =	vld.idx.msk [tilespmem:v41+s15+$0x0], $0xffff;
	v5 =	vadd.f32 v6, v5;
	v6 =	vmul.f32 v7, v40  }
0x12e: {  	v49 =	vor.u32 $0x3B, v4;
	v7 =	vld.idx.msk [tilespmem:v41+s16+$0x0], $0xffff  }
0x12f: {  	v50 =	vld.idx.msk [tilespmem:v44+s15+$0x0], $0xffff;
	v5 =	vadd.f32 v6, v5;
	v6 =	vmul.f32 v43, v42  }
0x130: {  	v52 =	vor.u32 $0x3C, v4;
	v51 =	vld.idx.msk [tilespmem:v44+s16+$0x0], $0xffff  }
0x131: {  	v53 =	vld.idx.msk [tilespmem:v47+s15+$0x0], $0xffff;
	v5 =	vadd.f32 v6, v5;
	v6 =	vmul.f32 v46, v45  }
0x132: {  	v54 =	vld.idx.msk [tilespmem:v47+s16+$0x0], $0xffff;
	v55 =	vor.u32 $0x3D, v4  }
0x133: {  	v56 =	vld.idx.msk [tilespmem:v49+s15+$0x0], $0xffff;
	v5 =	vadd.f32 v6, v5;
	v6 =	vmul.f32 v7, v48  }
0x134: {  	v57 =	vor.u32 $0x3E, v4;
	v7 =	vld.idx.msk [tilespmem:v49+s16+$0x0], $0xffff  }
0x135: {  	v58 =	vld.idx.msk [tilespmem:v52+s15+$0x0], $0xffff;
	v5 =	vadd.f32 v6, v5;
	v6 =	vmul.f32 v51, v50  }
0x136: {  	v4 =	vor.u32 $0x3F, v4;
	v59 =	vld.idx.msk [tilespmem:v52+s16+$0x0], $0xffff  }
0x137: {  	v60 =	vld.idx.msk [tilespmem:v55+s15+$0x0], $0xffff;
	v5 =	vadd.f32 v6, v5;
	v6 =	vmul.f32 v54, v53  }
0x138: {  	v61 =	vld.idx.msk [tilespmem:v55+s16+$0x0], $0xffff  }
0x139: {  	v62 =	vld.idx.msk [tilespmem:v57+s15+$0x0], $0xffff;
	v5 =	vadd.f32 v6, v5;
	v6 =	vmul.f32 v7, v56  }
0x13a: {  	v7 =	vld.idx.msk [tilespmem:v57+s16+$0x0], $0xffff  }
0x13b: {  	v3 =	vand.u32 v1, v3;
	v63 =	vld.idx.msk [tilespmem:v4+s15+$0x0], $0xffff;
	v5 =	vadd.f32 v6, v5;
	v6 =	vmul.f32 v59, v58  }
0x13c: {  	v4 =	vld.idx.msk [tilespmem:v4+s16+$0x0], $0xffff  }
0x13d: {  	v5 =	vadd.f32 v6, v5;
	v6 =	vmul.f32 v61, v60;
	_ =	sdelay $0x1  }
0x13e: {  	v5 =	vadd.f32 v6, v5;
	v6 =	vmul.f32 v7, v62  }
0x13f: {  	v7 =	vld.idx.msk [tilespmem:v3+s17+$0x0], $0xffff  }
0x140: {  	v4 =	vmul.f32 v4, v63;
	v5 =	vadd.f32 v6, v5  }
0x141: {  	v6 =	vld.idx.msk [tilespmem:v3+s18+$0x0], $0xffff  }
0x142: {  	v3 =	vadd.f32 v4, v5;
	_ =	sdelay $0x1  }
0x143: {  	s31 =	simm.s32 $0x20;
	v5 =	vadd.f32 v3, v7  }
0x144: {  	v3 =	vor.u32 s31, v0  }
0x145: {  	s23 =	simm.s32 $0x30;
	s22 =	simm.s32 $0x10810;
	v4 =	vshll.u32 v3, $0x6;
	v5 =	vadd.f32 v5, v6  }
.LBB2_2:
0x146: {  	p0 =	sne.s32 s23, $0x1F0  }
0x147: {  	v6 =	vor.u32 $0x1, v4;
	v5 =	vadd.f32 v5, v2  }
0x148: {  	s22 =	sadd.s32 $0x10, s22  }
0x149: {  	v7 =	vor.u32 $0x2, v4;
	[tilespmem:s22+$0x0] =	vst v5  }
0x14a: {  	v5 =	vld.idx.msk [tilespmem:v4+s16+$0x0], $0xffff  }
0x14b: {  	v9 =	vor.u32 $0x3, v4;
	v8 =	vld.idx.msk [tilespmem:v4+s15+$0x0], $0xffff  }
0x14c: {  	v10 =	vld.idx.msk [tilespmem:v6+s15+$0x0], $0xffff  }
0x14d: {  	v11 =	vor.u32 $0x4, v4;
	v6 =	vld.idx.msk [tilespmem:v6+s16+$0x0], $0xffff  }
0x14e: {  	v12 =	vld.idx.msk [tilespmem:v7+s15+$0x0], $0xffff  }
0x14f: {  	v13 =	vor.u32 $0x5, v4;
	v7 =	vld.idx.msk [tilespmem:v7+s16+$0x0], $0xffff  }
0x150: {  	v14 =	vld.idx.msk [tilespmem:v9+s15+$0x0], $0xffff  }
0x151: {  	v5 =	vmul.f32 v5, v8;
	v8 =	vld.idx.msk [tilespmem:v9+s16+$0x0], $0xffff;
	v9 =	vor.u32 $0x6, v4  }
0x152: {  	v15 =	vld.idx.msk [tilespmem:v11+s15+$0x0], $0xffff  }
0x153: {  	v5 =	vadd.f32 $0.0e+00, v5;
	v6 =	vmul.f32 v6, v10;
	v10 =	vld.idx.msk [tilespmem:v11+s16+$0x0], $0xffff;
	v11 =	vor.u32 $0x7, v4  }
0x154: {  	v16 =	vld.idx.msk [tilespmem:v13+s15+$0x0], $0xffff  }
0x155: {  	v5 =	vadd.f32 v6, v5;
	v6 =	vmul.f32 v7, v12;
	v12 =	vor.u32 $0x8, v4;
	v7 =	vld.idx.msk [tilespmem:v13+s16+$0x0], $0xffff  }
0x156: {  	v13 =	vld.idx.msk [tilespmem:v9+s15+$0x0], $0xffff  }
0x157: {  	v5 =	vadd.f32 v6, v5;
	v6 =	vmul.f32 v8, v14;
	v8 =	vld.idx.msk [tilespmem:v9+s16+$0x0], $0xffff;
	v9 =	vor.u32 $0x9, v4  }
0x158: {  	v14 =	vld.idx.msk [tilespmem:v11+s15+$0x0], $0xffff  }
0x159: {  	v5 =	vadd.f32 v6, v5;
	v6 =	vmul.f32 v10, v15;
	v10 =	vld.idx.msk [tilespmem:v11+s16+$0x0], $0xffff;
	v11 =	vor.u32 $0xA, v4  }
0x15a: {  	v15 =	vld.idx.msk [tilespmem:v12+s15+$0x0], $0xffff  }
0x15b: {  	v5 =	vadd.f32 v6, v5;
	v6 =	vmul.f32 v7, v16;
	v7 =	vld.idx.msk [tilespmem:v12+s16+$0x0], $0xffff;
	v12 =	vor.u32 $0xB, v4  }
0x15c: {  	v16 =	vld.idx.msk [tilespmem:v9+s15+$0x0], $0xffff  }
0x15d: {  	v5 =	vadd.f32 v6, v5;
	v6 =	vmul.f32 v8, v13;
	v8 =	vld.idx.msk [tilespmem:v9+s16+$0x0], $0xffff;
	v9 =	vor.u32 $0xC, v4  }
0x15e: {  	v13 =	vld.idx.msk [tilespmem:v11+s15+$0x0], $0xffff  }
0x15f: {  	v5 =	vadd.f32 v6, v5;
	v6 =	vmul.f32 v10, v14;
	v10 =	vld.idx.msk [tilespmem:v11+s16+$0x0], $0xffff;
	v11 =	vor.u32 $0xD, v4  }
0x160: {  	v14 =	vld.idx.msk [tilespmem:v12+s15+$0x0], $0xffff  }
0x161: {  	v5 =	vadd.f32 v6, v5;
	v6 =	vmul.f32 v7, v15;
	v7 =	vld.idx.msk [tilespmem:v12+s16+$0x0], $0xffff;
	v12 =	vor.u32 $0xE, v4  }
0x162: {  	v15 =	vld.idx.msk [tilespmem:v9+s15+$0x0], $0xffff  }
0x163: {  	v5 =	vadd.f32 v6, v5;
	v6 =	vmul.f32 v8, v16;
	v8 =	vld.idx.msk [tilespmem:v9+s16+$0x0], $0xffff;
	v9 =	vor.u32 $0xF, v4  }
0x164: {  	v16 =	vld.idx.msk [tilespmem:v11+s15+$0x0], $0xffff  }
0x165: {  	v5 =	vadd.f32 v6, v5;
	v6 =	vmul.f32 v10, v13;
	v10 =	vld.idx.msk [tilespmem:v11+s16+$0x0], $0xffff;
	v11 =	vor.u32 $0x10, v4  }
0x166: {  	v13 =	vld.idx.msk [tilespmem:v12+s15+$0x0], $0xffff  }
0x167: {  	v5 =	vadd.f32 v6, v5;
	v6 =	vmul.f32 v7, v14;
	v7 =	vld.idx.msk [tilespmem:v12+s16+$0x0], $0xffff;
	v12 =	vor.u32 $0x11, v4  }
0x168: {  	v14 =	vld.idx.msk [tilespmem:v9+s15+$0x0], $0xffff  }
0x169: {  	v5 =	vadd.f32 v6, v5;
	v6 =	vmul.f32 v8, v15;
	v8 =	vld.idx.msk [tilespmem:v9+s16+$0x0], $0xffff;
	v9 =	vor.u32 $0x12, v4  }
0x16a: {  	v15 =	vld.idx.msk [tilespmem:v11+s15+$0x0], $0xffff  }
0x16b: {  	v5 =	vadd.f32 v6, v5;
	v6 =	vmul.f32 v10, v16;
	v10 =	vld.idx.msk [tilespmem:v11+s16+$0x0], $0xffff;
	v11 =	vor.u32 $0x13, v4  }
0x16c: {  	v16 =	vld.idx.msk [tilespmem:v12+s15+$0x0], $0xffff  }
0x16d: {  	v5 =	vadd.f32 v6, v5;
	v6 =	vmul.f32 v7, v13;
	v7 =	vld.idx.msk [tilespmem:v12+s16+$0x0], $0xffff;
	v12 =	vor.u32 $0x14, v4  }
0x16e: {  	v13 =	vld.idx.msk [tilespmem:v9+s15+$0x0], $0xffff  }
0x16f: {  	v5 =	vadd.f32 v6, v5;
	v6 =	vmul.f32 v8, v14;
	v8 =	vld.idx.msk [tilespmem:v9+s16+$0x0], $0xffff;
	v9 =	vor.u32 $0x15, v4  }
0x170: {  	v14 =	vld.idx.msk [tilespmem:v11+s15+$0x0], $0xffff  }
0x171: {  	v5 =	vadd.f32 v6, v5;
	v6 =	vmul.f32 v10, v15;
	v10 =	vld.idx.msk [tilespmem:v11+s16+$0x0], $0xffff;
	v11 =	vor.u32 $0x16, v4  }
0x172: {  	v15 =	vld.idx.msk [tilespmem:v12+s15+$0x0], $0xffff  }
0x173: {  	v5 =	vadd.f32 v6, v5;
	v6 =	vmul.f32 v7, v16;
	v7 =	vld.idx.msk [tilespmem:v12+s16+$0x0], $0xffff;
	v12 =	vor.u32 $0x17, v4  }
0x174: {  	v16 =	vld.idx.msk [tilespmem:v9+s15+$0x0], $0xffff  }
0x175: {  	v5 =	vadd.f32 v6, v5;
	v6 =	vmul.f32 v8, v13;
	v8 =	vld.idx.msk [tilespmem:v9+s16+$0x0], $0xffff;
	v9 =	vor.u32 $0x18, v4  }
0x176: {  	v13 =	vld.idx.msk [tilespmem:v11+s15+$0x0], $0xffff  }
0x177: {  	v5 =	vadd.f32 v6, v5;
	v6 =	vmul.f32 v10, v14;
	v10 =	vld.idx.msk [tilespmem:v11+s16+$0x0], $0xffff;
	v11 =	vor.u32 $0x19, v4  }
0x178: {  	v14 =	vld.idx.msk [tilespmem:v12+s15+$0x0], $0xffff  }
0x179: {  	v5 =	vadd.f32 v6, v5;
	v6 =	vmul.f32 v7, v15;
	v7 =	vld.idx.msk [tilespmem:v12+s16+$0x0], $0xffff;
	v12 =	vor.u32 $0x1A, v4  }
0x17a: {  	v15 =	vld.idx.msk [tilespmem:v9+s15+$0x0], $0xffff  }
0x17b: {  	v5 =	vadd.f32 v6, v5;
	v6 =	vmul.f32 v8, v16;
	v8 =	vld.idx.msk [tilespmem:v9+s16+$0x0], $0xffff;
	v9 =	vor.u32 $0x1B, v4  }
0x17c: {  	v16 =	vld.idx.msk [tilespmem:v11+s15+$0x0], $0xffff  }
0x17d: {  	v5 =	vadd.f32 v6, v5;
	v6 =	vmul.f32 v10, v13;
	v10 =	vld.idx.msk [tilespmem:v11+s16+$0x0], $0xffff;
	v11 =	vor.u32 $0x1C, v4  }
0x17e: {  	v13 =	vld.idx.msk [tilespmem:v12+s15+$0x0], $0xffff  }
0x17f: {  	v5 =	vadd.f32 v6, v5;
	v6 =	vmul.f32 v7, v14;
	v7 =	vld.idx.msk [tilespmem:v12+s16+$0x0], $0xffff;
	v12 =	vor.u32 $0x1D, v4  }
0x180: {  	v14 =	vld.idx.msk [tilespmem:v9+s15+$0x0], $0xffff  }
0x181: {  	v5 =	vadd.f32 v6, v5;
	v6 =	vmul.f32 v8, v15;
	v8 =	vld.idx.msk [tilespmem:v9+s16+$0x0], $0xffff;
	v9 =	vor.u32 $0x1E, v4  }
0x182: {  	v15 =	vld.idx.msk [tilespmem:v11+s15+$0x0], $0xffff  }
0x183: {  	v5 =	vadd.f32 v6, v5;
	v6 =	vmul.f32 v10, v16;
	v10 =	vld.idx.msk [tilespmem:v11+s16+$0x0], $0xffff;
	v11 =	vor.u32 $0x1F, v4  }
0x184: {  	v16 =	vld.idx.msk [tilespmem:v12+s15+$0x0], $0xffff  }
0x185: {  	v5 =	vadd.f32 v6, v5;
	v6 =	vmul.f32 v7, v13;
	v7 =	vld.idx.msk [tilespmem:v12+s16+$0x0], $0xffff;
	v12 =	vor.u32 $0x20, v4  }
0x186: {  	v13 =	vld.idx.msk [tilespmem:v9+s15+$0x0], $0xffff  }
0x187: {  	v5 =	vadd.f32 v6, v5;
	v6 =	vmul.f32 v8, v14;
	v8 =	vld.idx.msk [tilespmem:v9+s16+$0x0], $0xffff;
	v9 =	vor.u32 $0x21, v4  }
0x188: {  	v14 =	vld.idx.msk [tilespmem:v11+s15+$0x0], $0xffff  }
0x189: {  	v5 =	vadd.f32 v6, v5;
	v6 =	vmul.f32 v10, v15;
	v10 =	vld.idx.msk [tilespmem:v11+s16+$0x0], $0xffff;
	v11 =	vor.u32 $0x22, v4  }
0x18a: {  	v15 =	vld.idx.msk [tilespmem:v12+s15+$0x0], $0xffff  }
0x18b: {  	v5 =	vadd.f32 v6, v5;
	v6 =	vmul.f32 v7, v16;
	v7 =	vld.idx.msk [tilespmem:v12+s16+$0x0], $0xffff;
	v12 =	vor.u32 $0x23, v4  }
0x18c: {  	v16 =	vld.idx.msk [tilespmem:v9+s15+$0x0], $0xffff  }
0x18d: {  	v5 =	vadd.f32 v6, v5;
	v6 =	vmul.f32 v8, v13;
	v8 =	vld.idx.msk [tilespmem:v9+s16+$0x0], $0xffff;
	v9 =	vor.u32 $0x24, v4  }
0x18e: {  	v13 =	vld.idx.msk [tilespmem:v11+s15+$0x0], $0xffff  }
0x18f: {  	v5 =	vadd.f32 v6, v5;
	v6 =	vmul.f32 v10, v14;
	v10 =	vld.idx.msk [tilespmem:v11+s16+$0x0], $0xffff;
	v11 =	vor.u32 $0x25, v4  }
0x190: {  	v14 =	vld.idx.msk [tilespmem:v12+s15+$0x0], $0xffff  }
0x191: {  	v5 =	vadd.f32 v6, v5;
	v6 =	vmul.f32 v7, v15;
	v7 =	vld.idx.msk [tilespmem:v12+s16+$0x0], $0xffff;
	v12 =	vor.u32 $0x26, v4  }
0x192: {  	v15 =	vld.idx.msk [tilespmem:v9+s15+$0x0], $0xffff  }
0x193: {  	v5 =	vadd.f32 v6, v5;
	v6 =	vmul.f32 v8, v16;
	v8 =	vld.idx.msk [tilespmem:v9+s16+$0x0], $0xffff;
	v9 =	vor.u32 $0x27, v4  }
0x194: {  	v16 =	vld.idx.msk [tilespmem:v11+s15+$0x0], $0xffff  }
0x195: {  	v5 =	vadd.f32 v6, v5;
	v6 =	vmul.f32 v10, v13;
	v10 =	vld.idx.msk [tilespmem:v11+s16+$0x0], $0xffff;
	v11 =	vor.u32 $0x28, v4  }
0x196: {  	v13 =	vld.idx.msk [tilespmem:v12+s15+$0x0], $0xffff  }
0x197: {  	v5 =	vadd.f32 v6, v5;
	v6 =	vmul.f32 v7, v14;
	v7 =	vld.idx.msk [tilespmem:v12+s16+$0x0], $0xffff;
	v12 =	vor.u32 $0x29, v4  }
0x198: {  	v14 =	vld.idx.msk [tilespmem:v9+s15+$0x0], $0xffff  }
0x199: {  	v5 =	vadd.f32 v6, v5;
	v6 =	vmul.f32 v8, v15;
	v8 =	vld.idx.msk [tilespmem:v9+s16+$0x0], $0xffff;
	v9 =	vor.u32 $0x2A, v4  }
0x19a: {  	v15 =	vld.idx.msk [tilespmem:v11+s15+$0x0], $0xffff  }
0x19b: {  	v5 =	vadd.f32 v6, v5;
	v6 =	vmul.f32 v10, v16;
	v10 =	vld.idx.msk [tilespmem:v11+s16+$0x0], $0xffff;
	v11 =	vor.u32 $0x2B, v4  }
0x19c: {  	v16 =	vld.idx.msk [tilespmem:v12+s15+$0x0], $0xffff  }
0x19d: {  	v5 =	vadd.f32 v6, v5;
	v6 =	vmul.f32 v7, v13;
	v7 =	vld.idx.msk [tilespmem:v12+s16+$0x0], $0xffff;
	v12 =	vor.u32 $0x2C, v4  }
0x19e: {  	v13 =	vld.idx.msk [tilespmem:v9+s15+$0x0], $0xffff  }
0x19f: {  	v5 =	vadd.f32 v6, v5;
	v6 =	vmul.f32 v8, v14;
	v8 =	vld.idx.msk [tilespmem:v9+s16+$0x0], $0xffff;
	v9 =	vor.u32 $0x2D, v4  }
0x1a0: {  	v14 =	vld.idx.msk [tilespmem:v11+s15+$0x0], $0xffff  }
0x1a1: {  	v5 =	vadd.f32 v6, v5;
	v6 =	vmul.f32 v10, v15;
	v10 =	vld.idx.msk [tilespmem:v11+s16+$0x0], $0xffff;
	v11 =	vor.u32 $0x2E, v4  }
0x1a2: {  	v15 =	vld.idx.msk [tilespmem:v12+s15+$0x0], $0xffff  }
0x1a3: {  	v5 =	vadd.f32 v6, v5;
	v6 =	vmul.f32 v7, v16;
	v7 =	vld.idx.msk [tilespmem:v12+s16+$0x0], $0xffff;
	v12 =	vor.u32 $0x2F, v4  }
0x1a4: {  	v16 =	vld.idx.msk [tilespmem:v9+s15+$0x0], $0xffff  }
0x1a5: {  	v5 =	vadd.f32 v6, v5;
	v6 =	vmul.f32 v8, v13;
	v8 =	vld.idx.msk [tilespmem:v9+s16+$0x0], $0xffff;
	v9 =	vor.u32 $0x30, v4  }
0x1a6: {  	v13 =	vld.idx.msk [tilespmem:v11+s15+$0x0], $0xffff  }
0x1a7: {  	v5 =	vadd.f32 v6, v5;
	v6 =	vmul.f32 v10, v14;
	v10 =	vld.idx.msk [tilespmem:v11+s16+$0x0], $0xffff;
	v11 =	vor.u32 $0x31, v4  }
0x1a8: {  	v14 =	vld.idx.msk [tilespmem:v12+s15+$0x0], $0xffff  }
0x1a9: {  	v5 =	vadd.f32 v6, v5;
	v6 =	vmul.f32 v7, v15;
	v7 =	vld.idx.msk [tilespmem:v12+s16+$0x0], $0xffff;
	v12 =	vor.u32 $0x32, v4  }
0x1aa: {  	v15 =	vld.idx.msk [tilespmem:v9+s15+$0x0], $0xffff  }
0x1ab: {  	v5 =	vadd.f32 v6, v5;
	v6 =	vmul.f32 v8, v16;
	v8 =	vld.idx.msk [tilespmem:v9+s16+$0x0], $0xffff;
	v9 =	vor.u32 $0x33, v4  }
0x1ac: {  	v16 =	vld.idx.msk [tilespmem:v11+s15+$0x0], $0xffff  }
0x1ad: {  	v5 =	vadd.f32 v6, v5;
	v6 =	vmul.f32 v10, v13;
	v10 =	vld.idx.msk [tilespmem:v11+s16+$0x0], $0xffff;
	v11 =	vor.u32 $0x34, v4  }
0x1ae: {  	v13 =	vld.idx.msk [tilespmem:v12+s15+$0x0], $0xffff  }
0x1af: {  	v5 =	vadd.f32 v6, v5;
	v6 =	vmul.f32 v7, v14;
	v7 =	vld.idx.msk [tilespmem:v12+s16+$0x0], $0xffff;
	v12 =	vor.u32 $0x35, v4  }
0x1b0: {  	v14 =	vld.idx.msk [tilespmem:v9+s15+$0x0], $0xffff  }
0x1b1: {  	v5 =	vadd.f32 v6, v5;
	v6 =	vmul.f32 v8, v15;
	v8 =	vld.idx.msk [tilespmem:v9+s16+$0x0], $0xffff;
	v9 =	vor.u32 $0x36, v4  }
0x1b2: {  	v15 =	vld.idx.msk [tilespmem:v11+s15+$0x0], $0xffff  }
0x1b3: {  	v5 =	vadd.f32 v6, v5;
	v6 =	vmul.f32 v10, v16;
	v10 =	vld.idx.msk [tilespmem:v11+s16+$0x0], $0xffff;
	v11 =	vor.u32 $0x37, v4  }
0x1b4: {  	v16 =	vld.idx.msk [tilespmem:v12+s15+$0x0], $0xffff  }
0x1b5: {  	v5 =	vadd.f32 v6, v5;
	v6 =	vmul.f32 v7, v13;
	v7 =	vld.idx.msk [tilespmem:v12+s16+$0x0], $0xffff;
	v12 =	vor.u32 $0x38, v4  }
0x1b6: {  	v13 =	vld.idx.msk [tilespmem:v9+s15+$0x0], $0xffff  }
0x1b7: {  	v5 =	vadd.f32 v6, v5;
	v6 =	vmul.f32 v8, v14;
	v8 =	vld.idx.msk [tilespmem:v9+s16+$0x0], $0xffff;
	v9 =	vor.u32 $0x39, v4  }
0x1b8: {  	v14 =	vld.idx.msk [tilespmem:v11+s15+$0x0], $0xffff  }
0x1b9: {  	v5 =	vadd.f32 v6, v5;
	v6 =	vmul.f32 v10, v15;
	v10 =	vld.idx.msk [tilespmem:v11+s16+$0x0], $0xffff;
	v11 =	vor.u32 $0x3A, v4  }
0x1ba: {  	v15 =	vld.idx.msk [tilespmem:v12+s15+$0x0], $0xffff  }
0x1bb: {  	v5 =	vadd.f32 v6, v5;
	v6 =	vmul.f32 v7, v16;
	v7 =	vld.idx.msk [tilespmem:v12+s16+$0x0], $0xffff;
	v12 =	vor.u32 $0x3B, v4  }
0x1bc: {  	v16 =	vld.idx.msk [tilespmem:v9+s15+$0x0], $0xffff  }
0x1bd: {  	v5 =	vadd.f32 v6, v5;
	v6 =	vmul.f32 v8, v13;
	v8 =	vld.idx.msk [tilespmem:v9+s16+$0x0], $0xffff;
	v9 =	vor.u32 $0x3C, v4  }
0x1be: {  	v13 =	vld.idx.msk [tilespmem:v11+s15+$0x0], $0xffff  }
0x1bf: {  	v5 =	vadd.f32 v6, v5;
	v6 =	vmul.f32 v10, v14;
	v10 =	vld.idx.msk [tilespmem:v11+s16+$0x0], $0xffff;
	v11 =	vor.u32 $0x3D, v4  }
0x1c0: {  	v14 =	vld.idx.msk [tilespmem:v12+s15+$0x0], $0xffff  }
0x1c1: {  	v5 =	vadd.f32 v6, v5;
	v6 =	vmul.f32 v7, v15;
	v7 =	vld.idx.msk [tilespmem:v12+s16+$0x0], $0xffff;
	v12 =	vor.u32 $0x3E, v4  }
0x1c2: {  	v15 =	vld.idx.msk [tilespmem:v9+s15+$0x0], $0xffff  }
0x1c3: {  	v4 =	vor.u32 $0x3F, v4;
	v5 =	vadd.f32 v6, v5;
	v6 =	vmul.f32 v8, v16;
	v8 =	vld.idx.msk [tilespmem:v9+s16+$0x0], $0xffff  }
0x1c4: {  	v9 =	vld.idx.msk [tilespmem:v11+s15+$0x0], $0xffff  }
0x1c5: {  	v5 =	vadd.f32 v6, v5;
	v6 =	vmul.f32 v10, v13;
	v10 =	vld.idx.msk [tilespmem:v11+s16+$0x0], $0xffff  }
0x1c6: {  	v11 =	vld.idx.msk [tilespmem:v12+s15+$0x0], $0xffff  }
0x1c7: {  	v5 =	vadd.f32 v6, v5;
	v6 =	vmul.f32 v7, v14;
	v7 =	vld.idx.msk [tilespmem:v12+s16+$0x0], $0xffff  }
0x1c8: {  	v3 =	vand.u32 v1, v3;
	v12 =	vld.idx.msk [tilespmem:v4+s15+$0x0], $0xffff  }
0x1c9: {  	v5 =	vadd.f32 v6, v5;
	v6 =	vmul.f32 v8, v15;
	v4 =	vld.idx.msk [tilespmem:v4+s16+$0x0], $0xffff;
	_ =	sdelay $0x1  }
0x1ca: {  	v5 =	vadd.f32 v6, v5;
	v6 =	vmul.f32 v10, v9;
	_ =	sdelay $0x1  }
0x1cb: {  	v5 =	vadd.f32 v6, v5;
	v6 =	vmul.f32 v7, v11;
	v7 =	vld.idx.msk [tilespmem:v3+s17+$0x0], $0xffff;
	_ =	sdelay $0x1  }
0x1cc: {  	v5 =	vadd.f32 v6, v5;
	v4 =	vmul.f32 v4, v12;
	v6 =	vld.idx.msk [tilespmem:v3+s18+$0x0], $0xffff;
	_ =	sdelay $0x1  }
.Ltmp0:
0x1cd: {  	v3 =	vadd.f32 v4, v5;
	(pc) =	sbr.rel @p0 .LBB2_2-.Ltmp0, $4  }
0x1ce: {  	_ = 	snop  }
0x1cf: {  	v5 =	vadd.f32 v3, v7  }
0x1d0: {  	v3 =	vor.u32 s23, v0  }
0x1d1: {  	s23 =	sadd.s32 $0x10, s23;
	v4 =	vshll.u32 v3, $0x6;
	v5 =	vadd.f32 v5, v6  }
0x1d2: {  	_ = 	snop  }
0x1d3: {  	v6 =	vor.u32 $0x1, v4;
	v5 =	vadd.f32 v5, v2  }
0x1d4: {  	s22 =	sadd.s32 $0x10, s22  }
0x1d5: {  	v7 =	vor.u32 $0x2, v4;
	[tilespmem:s22+$0x0] =	vst v5  }
0x1d6: {  	v5 =	vld.idx.msk [tilespmem:v4+s16+$0x0], $0xffff  }
0x1d7: {  	v9 =	vor.u32 $0x3, v4;
	v8 =	vld.idx.msk [tilespmem:v4+s15+$0x0], $0xffff  }
0x1d8: {  	v10 =	vld.idx.msk [tilespmem:v6+s15+$0x0], $0xffff  }
0x1d9: {  	v11 =	vor.u32 $0x4, v4;
	v6 =	vld.idx.msk [tilespmem:v6+s16+$0x0], $0xffff  }
0x1da: {  	v12 =	vld.idx.msk [tilespmem:v7+s15+$0x0], $0xffff  }
0x1db: {  	v13 =	vor.u32 $0x5, v4;
	v7 =	vld.idx.msk [tilespmem:v7+s16+$0x0], $0xffff  }
0x1dc: {  	v14 =	vld.idx.msk [tilespmem:v9+s15+$0x0], $0xffff;
	v5 =	vmul.f32 v5, v8  }
0x1dd: {  	v49 =	vor.u32 $0x6, v4;
	v48 =	vld.idx.msk [tilespmem:v9+s16+$0x0], $0xffff  }
0x1de: {  	v15 =	vld.idx.msk [tilespmem:v11+s15+$0x0], $0xffff;
	v6 =	vmul.f32 v6, v10;
	v5 =	vadd.f32 $0.0e+00, v5  }
0x1df: {  	v51 =	vor.u32 $0x7, v4;
	v50 =	vld.idx.msk [tilespmem:v11+s16+$0x0], $0xffff  }
0x1e0: {  	v16 =	vld.idx.msk [tilespmem:v13+s15+$0x0], $0xffff;
	v52 =	vmul.f32 v7, v12;
	v5 =	vadd.f32 v6, v5  }
0x1e1: {  	v54 =	vor.u32 $0x8, v4;
	v53 =	vld.idx.msk [tilespmem:v13+s16+$0x0], $0xffff  }
0x1e2: {  	v55 =	vld.idx.msk [tilespmem:v49+s15+$0x0], $0xffff;
	v56 =	vmul.f32 v48, v14;
	v5 =	vadd.f32 v52, v5  }
0x1e3: {  	v58 =	vor.u32 $0x9, v4;
	v57 =	vld.idx.msk [tilespmem:v49+s16+$0x0], $0xffff  }
0x1e4: {  	v59 =	vld.idx.msk [tilespmem:v51+s15+$0x0], $0xffff;
	v60 =	vmul.f32 v50, v15;
	v5 =	vadd.f32 v56, v5  }
0x1e5: {  	v62 =	vor.u32 $0xA, v4;
	v61 =	vld.idx.msk [tilespmem:v51+s16+$0x0], $0xffff  }
0x1e6: {  	v63 =	vld.idx.msk [tilespmem:v54+s15+$0x0], $0xffff;
	v20 =	vmul.f32 v53, v16;
	v5 =	vadd.f32 v60, v5  }
0x1e7: {  	v22 =	vor.u32 $0xB, v4;
	v21 =	vld.idx.msk [tilespmem:v54+s16+$0x0], $0xffff  }
0x1e8: {  	v23 =	vld.idx.msk [tilespmem:v58+s15+$0x0], $0xffff;
	v24 =	vmul.f32 v57, v55;
	v5 =	vadd.f32 v20, v5  }
0x1e9: {  	v26 =	vor.u32 $0xC, v4;
	v25 =	vld.idx.msk [tilespmem:v58+s16+$0x0], $0xffff  }
0x1ea: {  	v27 =	vld.idx.msk [tilespmem:v62+s15+$0x0], $0xffff;
	v28 =	vmul.f32 v61, v59;
	v5 =	vadd.f32 v24, v5  }
0x1eb: {  	v30 =	vor.u32 $0xD, v4;
	v29 =	vld.idx.msk [tilespmem:v62+s16+$0x0], $0xffff  }
0x1ec: {  	v31 =	vld.idx.msk [tilespmem:v22+s15+$0x0], $0xffff;
	v32 =	vmul.f32 v21, v63;
	v5 =	vadd.f32 v28, v5  }
0x1ed: {  	v34 =	vor.u32 $0xE, v4;
	v33 =	vld.idx.msk [tilespmem:v22+s16+$0x0], $0xffff  }
0x1ee: {  	v35 =	vld.idx.msk [tilespmem:v26+s15+$0x0], $0xffff;
	v36 =	vmul.f32 v25, v23;
	v5 =	vadd.f32 v32, v5  }
0x1ef: {  	v38 =	vor.u32 $0xF, v4;
	v37 =	vld.idx.msk [tilespmem:v26+s16+$0x0], $0xffff  }
0x1f0: {  	v39 =	vld.idx.msk [tilespmem:v30+s15+$0x0], $0xffff;
	v40 =	vmul.f32 v29, v27;
	v5 =	vadd.f32 v36, v5  }
0x1f1: {  	v42 =	vor.u32 $0x10, v4;
	v41 =	vld.idx.msk [tilespmem:v30+s16+$0x0], $0xffff  }
0x1f2: {  	v43 =	vld.idx.msk [tilespmem:v34+s15+$0x0], $0xffff;
	v44 =	vmul.f32 v33, v31;
	v5 =	vadd.f32 v40, v5  }
0x1f3: {  	v46 =	vor.u32 $0x11, v4;
	v45 =	vld.idx.msk [tilespmem:v34+s16+$0x0], $0xffff  }
0x1f4: {  	v47 =	vld.idx.msk [tilespmem:v38+s15+$0x0], $0xffff;
	v48 =	vmul.f32 v37, v35;
	v5 =	vadd.f32 v44, v5  }
0x1f5: {  	v49 =	vld.idx.msk [tilespmem:v38+s16+$0x0], $0xffff;
	v50 =	vor.u32 $0x12, v4  }
0x1f6: {  	v51 =	vld.idx.msk [tilespmem:v42+s15+$0x0], $0xffff;
	v52 =	vmul.f32 v41, v39;
	v5 =	vadd.f32 v48, v5  }
0x1f7: {  	v54 =	vor.u32 $0x13, v4;
	v53 =	vld.idx.msk [tilespmem:v42+s16+$0x0], $0xffff  }
0x1f8: {  	v55 =	vld.idx.msk [tilespmem:v46+s15+$0x0], $0xffff;
	v56 =	vmul.f32 v45, v43;
	v5 =	vadd.f32 v52, v5  }
0x1f9: {  	v58 =	vor.u32 $0x14, v4;
	v57 =	vld.idx.msk [tilespmem:v46+s16+$0x0], $0xffff  }
0x1fa: {  	v59 =	vld.idx.msk [tilespmem:v50+s15+$0x0], $0xffff;
	v60 =	vmul.f32 v49, v47;
	v5 =	vadd.f32 v56, v5  }
0x1fb: {  	v62 =	vor.u32 $0x15, v4;
	v61 =	vld.idx.msk [tilespmem:v50+s16+$0x0], $0xffff  }
0x1fc: {  	v63 =	vld.idx.msk [tilespmem:v54+s15+$0x0], $0xffff;
	v20 =	vmul.f32 v53, v51;
	v5 =	vadd.f32 v60, v5  }
0x1fd: {  	v22 =	vor.u32 $0x16, v4;
	v21 =	vld.idx.msk [tilespmem:v54+s16+$0x0], $0xffff  }
0x1fe: {  	v23 =	vld.idx.msk [tilespmem:v58+s15+$0x0], $0xffff;
	v24 =	vmul.f32 v57, v55;
	v5 =	vadd.f32 v20, v5  }
0x1ff: {  	v26 =	vor.u32 $0x17, v4;
	v25 =	vld.idx.msk [tilespmem:v58+s16+$0x0], $0xffff  }
0x200: {  	v27 =	vld.idx.msk [tilespmem:v62+s15+$0x0], $0xffff;
	v28 =	vmul.f32 v61, v59;
	v5 =	vadd.f32 v24, v5  }
0x201: {  	v30 =	vor.u32 $0x18, v4;
	v29 =	vld.idx.msk [tilespmem:v62+s16+$0x0], $0xffff  }
0x202: {  	v31 =	vld.idx.msk [tilespmem:v22+s15+$0x0], $0xffff;
	v32 =	vmul.f32 v21, v63;
	v5 =	vadd.f32 v28, v5  }
0x203: {  	v34 =	vor.u32 $0x19, v4;
	v33 =	vld.idx.msk [tilespmem:v22+s16+$0x0], $0xffff  }
0x204: {  	v35 =	vld.idx.msk [tilespmem:v26+s15+$0x0], $0xffff;
	v36 =	vmul.f32 v25, v23;
	v5 =	vadd.f32 v32, v5  }
0x205: {  	v38 =	vor.u32 $0x1A, v4;
	v37 =	vld.idx.msk [tilespmem:v26+s16+$0x0], $0xffff  }
0x206: {  	v39 =	vld.idx.msk [tilespmem:v30+s15+$0x0], $0xffff;
	v40 =	vmul.f32 v29, v27;
	v5 =	vadd.f32 v36, v5  }
0x207: {  	v42 =	vor.u32 $0x1B, v4;
	v41 =	vld.idx.msk [tilespmem:v30+s16+$0x0], $0xffff  }
0x208: {  	v43 =	vld.idx.msk [tilespmem:v34+s15+$0x0], $0xffff;
	v44 =	vmul.f32 v33, v31;
	v5 =	vadd.f32 v40, v5  }
0x209: {  	v46 =	vor.u32 $0x1C, v4;
	v45 =	vld.idx.msk [tilespmem:v34+s16+$0x0], $0xffff  }
0x20a: {  	v47 =	vld.idx.msk [tilespmem:v38+s15+$0x0], $0xffff;
	v48 =	vmul.f32 v37, v35;
	v5 =	vadd.f32 v44, v5  }
0x20b: {  	v50 =	vor.u32 $0x1D, v4;
	v49 =	vld.idx.msk [tilespmem:v38+s16+$0x0], $0xffff  }
0x20c: {  	v51 =	vld.idx.msk [tilespmem:v42+s15+$0x0], $0xffff;
	v52 =	vmul.f32 v41, v39;
	v5 =	vadd.f32 v48, v5  }
0x20d: {  	v54 =	vor.u32 $0x1E, v4;
	v53 =	vld.idx.msk [tilespmem:v42+s16+$0x0], $0xffff  }
0x20e: {  	v55 =	vld.idx.msk [tilespmem:v46+s15+$0x0], $0xffff;
	v56 =	vmul.f32 v45, v43;
	v5 =	vadd.f32 v52, v5  }
0x20f: {  	v58 =	vor.u32 $0x1F, v4;
	v57 =	vld.idx.msk [tilespmem:v46+s16+$0x0], $0xffff  }
0x210: {  	v59 =	vld.idx.msk [tilespmem:v50+s15+$0x0], $0xffff;
	v60 =	vmul.f32 v49, v47;
	v5 =	vadd.f32 v56, v5  }
0x211: {  	v62 =	vor.u32 $0x20, v4;
	v61 =	vld.idx.msk [tilespmem:v50+s16+$0x0], $0xffff  }
0x212: {  	v63 =	vld.idx.msk [tilespmem:v54+s15+$0x0], $0xffff;
	v20 =	vmul.f32 v53, v51;
	v5 =	vadd.f32 v60, v5  }
0x213: {  	v22 =	vor.u32 $0x21, v4;
	v21 =	vld.idx.msk [tilespmem:v54+s16+$0x0], $0xffff  }
0x214: {  	v23 =	vld.idx.msk [tilespmem:v58+s15+$0x0], $0xffff;
	v24 =	vmul.f32 v57, v55;
	v5 =	vadd.f32 v20, v5  }
0x215: {  	v26 =	vor.u32 $0x22, v4;
	v25 =	vld.idx.msk [tilespmem:v58+s16+$0x0], $0xffff  }
0x216: {  	v27 =	vld.idx.msk [tilespmem:v62+s15+$0x0], $0xffff;
	v28 =	vmul.f32 v61, v59;
	v5 =	vadd.f32 v24, v5  }
0x217: {  	v30 =	vor.u32 $0x23, v4;
	v29 =	vld.idx.msk [tilespmem:v62+s16+$0x0], $0xffff  }
0x218: {  	v31 =	vld.idx.msk [tilespmem:v22+s15+$0x0], $0xffff;
	v32 =	vmul.f32 v21, v63;
	v5 =	vadd.f32 v28, v5  }
0x219: {  	v34 =	vor.u32 $0x24, v4;
	v33 =	vld.idx.msk [tilespmem:v22+s16+$0x0], $0xffff  }
0x21a: {  	v35 =	vld.idx.msk [tilespmem:v26+s15+$0x0], $0xffff;
	v36 =	vmul.f32 v25, v23;
	v5 =	vadd.f32 v32, v5  }
0x21b: {  	v38 =	vor.u32 $0x25, v4;
	v37 =	vld.idx.msk [tilespmem:v26+s16+$0x0], $0xffff  }
0x21c: {  	v39 =	vld.idx.msk [tilespmem:v30+s15+$0x0], $0xffff;
	v40 =	vmul.f32 v29, v27;
	v5 =	vadd.f32 v36, v5  }
0x21d: {  	v42 =	vor.u32 $0x26, v4;
	v41 =	vld.idx.msk [tilespmem:v30+s16+$0x0], $0xffff  }
0x21e: {  	v43 =	vld.idx.msk [tilespmem:v34+s15+$0x0], $0xffff;
	v44 =	vmul.f32 v33, v31;
	v5 =	vadd.f32 v40, v5  }
0x21f: {  	v46 =	vor.u32 $0x27, v4;
	v45 =	vld.idx.msk [tilespmem:v34+s16+$0x0], $0xffff  }
0x220: {  	v47 =	vld.idx.msk [tilespmem:v38+s15+$0x0], $0xffff;
	v48 =	vmul.f32 v37, v35;
	v5 =	vadd.f32 v44, v5  }
0x221: {  	v50 =	vor.u32 $0x28, v4;
	v49 =	vld.idx.msk [tilespmem:v38+s16+$0x0], $0xffff  }
0x222: {  	v51 =	vld.idx.msk [tilespmem:v42+s15+$0x0], $0xffff;
	v52 =	vmul.f32 v41, v39;
	v5 =	vadd.f32 v48, v5  }
0x223: {  	v54 =	vor.u32 $0x29, v4;
	v53 =	vld.idx.msk [tilespmem:v42+s16+$0x0], $0xffff  }
0x224: {  	v55 =	vld.idx.msk [tilespmem:v46+s15+$0x0], $0xffff;
	v56 =	vmul.f32 v45, v43;
	v5 =	vadd.f32 v52, v5  }
0x225: {  	v58 =	vor.u32 $0x2A, v4;
	v57 =	vld.idx.msk [tilespmem:v46+s16+$0x0], $0xffff  }
0x226: {  	v59 =	vld.idx.msk [tilespmem:v50+s15+$0x0], $0xffff;
	v60 =	vmul.f32 v49, v47;
	v5 =	vadd.f32 v56, v5  }
0x227: {  	v62 =	vor.u32 $0x2B, v4;
	v61 =	vld.idx.msk [tilespmem:v50+s16+$0x0], $0xffff  }
0x228: {  	v19 =	vld.idx.msk [tilespmem:v54+s16+$0x0], $0xffff;
	v18 =	vmul.f32 v53, v51;
	v5 =	vadd.f32 v60, v5  }
0x229: {  	v63 =	vld.idx.msk [tilespmem:v54+s15+$0x0], $0xffff;
	v20 =	vor.u32 $0x2C, v4  }
0x22a: {  	v21 =	vld.idx.msk [tilespmem:v58+s15+$0x0], $0xffff;
	v22 =	vmul.f32 v57, v55;
	v5 =	vadd.f32 v18, v5  }
0x22b: {  	v23 =	vld.idx.msk [tilespmem:v58+s16+$0x0], $0xffff;
	v24 =	vor.u32 $0x2D, v4  }
0x22c: {  	v25 =	vld.idx.msk [tilespmem:v62+s15+$0x0], $0xffff;
	v26 =	vmul.f32 v61, v59;
	v5 =	vadd.f32 v22, v5  }
0x22d: {  	v27 =	vld.idx.msk [tilespmem:v62+s16+$0x0], $0xffff;
	v28 =	vor.u32 $0x2E, v4  }
0x22e: {  	v30 =	vmul.f32 v19, v63;
	v29 =	vld.idx.msk [tilespmem:v20+s15+$0x0], $0xffff;
	v5 =	vadd.f32 v26, v5  }
0x22f: {  	v31 =	vld.idx.msk [tilespmem:v20+s16+$0x0], $0xffff;
	v32 =	vor.u32 $0x2F, v4  }
0x230: {  	v34 =	vmul.f32 v23, v21;
	v33 =	vld.idx.msk [tilespmem:v24+s15+$0x0], $0xffff;
	v5 =	vadd.f32 v30, v5  }
0x231: {  	v35 =	vld.idx.msk [tilespmem:v24+s16+$0x0], $0xffff;
	v36 =	vor.u32 $0x30, v4  }
0x232: {  	v38 =	vmul.f32 v27, v25;
	v37 =	vld.idx.msk [tilespmem:v28+s15+$0x0], $0xffff;
	v5 =	vadd.f32 v34, v5  }
0x233: {  	v39 =	vld.idx.msk [tilespmem:v28+s16+$0x0], $0xffff;
	v40 =	vor.u32 $0x31, v4  }
0x234: {  	v42 =	vmul.f32 v31, v29;
	v41 =	vld.idx.msk [tilespmem:v32+s15+$0x0], $0xffff;
	v5 =	vadd.f32 v38, v5  }
0x235: {  	v43 =	vld.idx.msk [tilespmem:v32+s16+$0x0], $0xffff;
	v44 =	vor.u32 $0x32, v4  }
0x236: {  	v46 =	vmul.f32 v35, v33;
	v45 =	vld.idx.msk [tilespmem:v36+s15+$0x0], $0xffff;
	v5 =	vadd.f32 v42, v5  }
0x237: {  	v47 =	vld.idx.msk [tilespmem:v36+s16+$0x0], $0xffff;
	v48 =	vor.u32 $0x33, v4  }
0x238: {  	v50 =	vmul.f32 v39, v37;
	v49 =	vld.idx.msk [tilespmem:v40+s15+$0x0], $0xffff;
	v5 =	vadd.f32 v46, v5  }
0x239: {  	v51 =	vld.idx.msk [tilespmem:v40+s16+$0x0], $0xffff;
	v52 =	vor.u32 $0x34, v4  }
0x23a: {  	v54 =	vmul.f32 v43, v41;
	v53 =	vld.idx.msk [tilespmem:v44+s15+$0x0], $0xffff;
	v5 =	vadd.f32 v50, v5  }
0x23b: {  	v55 =	vld.idx.msk [tilespmem:v44+s16+$0x0], $0xffff;
	v56 =	vor.u32 $0x35, v4  }
0x23c: {  	v58 =	vmul.f32 v47, v45;
	v57 =	vld.idx.msk [tilespmem:v48+s15+$0x0], $0xffff;
	v5 =	vadd.f32 v54, v5  }
0x23d: {  	v59 =	vld.idx.msk [tilespmem:v48+s16+$0x0], $0xffff;
	v60 =	vor.u32 $0x36, v4  }
0x23e: {  	v62 =	vmul.f32 v51, v49;
	v61 =	vld.idx.msk [tilespmem:v52+s15+$0x0], $0xffff;
	v5 =	vadd.f32 v58, v5  }
0x23f: {  	v20 =	vor.u32 $0x37, v4;
	v63 =	vld.idx.msk [tilespmem:v52+s16+$0x0], $0xffff  }
0x240: {  	v21 =	vld.idx.msk [tilespmem:v56+s15+$0x0], $0xffff;
	v22 =	vmul.f32 v55, v53;
	v5 =	vadd.f32 v62, v5  }
0x241: {  	v24 =	vor.u32 $0x38, v4;
	v23 =	vld.idx.msk [tilespmem:v56+s16+$0x0], $0xffff  }
0x242: {  	v25 =	vld.idx.msk [tilespmem:v60+s15+$0x0], $0xffff;
	v26 =	vmul.f32 v59, v57;
	v5 =	vadd.f32 v22, v5  }
0x243: {  	v28 =	vor.u32 $0x39, v4;
	v27 =	vld.idx.msk [tilespmem:v60+s16+$0x0], $0xffff  }
0x244: {  	v29 =	vld.idx.msk [tilespmem:v20+s15+$0x0], $0xffff;
	v30 =	vmul.f32 v63, v61;
	v5 =	vadd.f32 v26, v5  }
0x245: {  	v31 =	vld.idx.msk [tilespmem:v20+s16+$0x0], $0xffff;
	v32 =	vor.u32 $0x3A, v4  }
0x246: {  	v33 =	vld.idx.msk [tilespmem:v24+s15+$0x0], $0xffff;
	v34 =	vmul.f32 v23, v21;
	v5 =	vadd.f32 v30, v5  }
0x247: {  	v35 =	vld.idx.msk [tilespmem:v24+s16+$0x0], $0xffff;
	v36 =	vor.u32 $0x3B, v4  }
0x248: {  	v37 =	vld.idx.msk [tilespmem:v28+s15+$0x0], $0xffff;
	v38 =	vmul.f32 v27, v25;
	v5 =	vadd.f32 v34, v5  }
0x249: {  	v39 =	vld.idx.msk [tilespmem:v28+s16+$0x0], $0xffff;
	v40 =	vor.u32 $0x3C, v4  }
0x24a: {  	v41 =	vld.idx.msk [tilespmem:v32+s15+$0x0], $0xffff;
	v42 =	vmul.f32 v31, v29;
	v5 =	vadd.f32 v38, v5  }
0x24b: {  	v43 =	vld.idx.msk [tilespmem:v32+s16+$0x0], $0xffff;
	v44 =	vor.u32 $0x3D, v4  }
0x24c: {  	v45 =	vld.idx.msk [tilespmem:v36+s15+$0x0], $0xffff;
	v46 =	vmul.f32 v35, v33;
	v5 =	vadd.f32 v42, v5  }
0x24d: {  	v47 =	vld.idx.msk [tilespmem:v36+s16+$0x0], $0xffff;
	v48 =	vor.u32 $0x3E, v4  }
0x24e: {  	v49 =	vld.idx.msk [tilespmem:v40+s15+$0x0], $0xffff;
	v50 =	vmul.f32 v39, v37;
	v5 =	vadd.f32 v46, v5  }
0x24f: {  	v51 =	vld.idx.msk [tilespmem:v40+s16+$0x0], $0xffff;
	v52 =	vor.u32 $0x3F, v4  }
0x250: {  	v53 =	vld.idx.msk [tilespmem:v44+s15+$0x0], $0xffff;
	v54 =	vmul.f32 v43, v41;
	v5 =	vadd.f32 v50, v5  }
0x251: {  	v55 =	vld.idx.msk [tilespmem:v44+s16+$0x0], $0xffff  }
0x252: {  	v56 =	vld.idx.msk [tilespmem:v48+s15+$0x0], $0xffff;
	v57 =	vmul.f32 v47, v45;
	v5 =	vadd.f32 v54, v5  }
0x253: {  	v58 =	vld.idx.msk [tilespmem:v48+s16+$0x0], $0xffff  }
0x254: {  	v3 =	vand.u32 v1, v3;
	v60 =	vmul.f32 v51, v49;
	v59 =	vld.idx.msk [tilespmem:v52+s15+$0x0], $0xffff;
	v5 =	vadd.f32 v57, v5  }
0x255: {  	v4 =	vld.idx.msk [tilespmem:v52+s16+$0x0], $0xffff  }
0x256: {  	v61 =	vmul.f32 v55, v53;
	v5 =	vadd.f32 v60, v5;
	_ =	sdelay $0x1  }
0x257: {  	v62 =	vmul.f32 v58, v56;
	v5 =	vadd.f32 v61, v5  }
0x258: {  	v63 =	vld.idx.msk [tilespmem:v3+s17+$0x0], $0xffff  }
0x259: {  	v4 =	vmul.f32 v4, v59;
	v5 =	vadd.f32 v62, v5  }
0x25a: {  	v3 =	vld.idx.msk [tilespmem:v3+s18+$0x0], $0xffff  }
0x25b: {  	v4 =	vadd.f32 v4, v5;
	_ =	sdelay $0x1  }
0x25c: {  	v4 =	vadd.f32 v4, v63;
	_ =	sdelay $0x1  }
0x25d: {  	v3 =	vadd.f32 v4, v3;
	_ =	sdelay $0x1  }
0x25e: {  	s21 =	sadd.s32 $0x1, s21;
	v2 =	vadd.f32 v3, v2  }
0x25f: {  	p0 =	sne.s32 s21, s11;
	s22 =	sadd.s32 $0x10, s22  }
.Ltmp1:
0x260: {  	[tilespmem:s22+$0x0] =	vst v2;
	(pc) =	sbr.rel @p0 .LBB2_1-.Ltmp1, $4  }
0x261: {  	[hbm4b:s10+s4] =	stream.linear.scatter [tilespmem:s20], [sflag:$0x2], $0x200, $0x38;
	[tilespmem:$0x10A10] =	vst v63  }
0x262: {  	_ =	swait.ge [sflag:s12], $0x200  }
0x263: {  	[sflag:s12] =	ssyncset.done $0x0  }
0x264: {  	[sflag:s12] =	ssyncadd.s32 $0xFFFFFE00  }
0x265: {  	_ =	sfence.sel $0x180000  }
0x266: {  	[bflag:$0x0] =	sbarrier.arrive $0xFFFF  }
0x267: {  	p0 =	sne.s32 s5, $0x0;
	_ =	strace $0x90000047  }
0x268: {  	s0 =	sadd.s32 @!p0 $0x100000, s0;
	[bflag:$0x2] =	sbarrier.arrive $0xFFFF  }
0x269: {  	[sflag:s0] =	ssyncadd.tile.s32 @!p0 $0x1;
	_ =	shalt  }
.Lfunc_end2:
_tile_overlayer_lowered:
.L_overlay_start_2:
0x26a: {  	(tag) =	ssettag $0x2  }
0x26b: {  	s0 =	rddreg [dreg:$0x0];
	s2 =	stileid.u32  }
0x26c: {  	s1 =	rddreg [dreg:$0x1];
	p0 =	sne.s32 s2, $0x0  }
0x26d: {  	s3 =	rddreg [dreg:$0x2];
	[bflag:$0x3] =	sbarrier.arrive $0xFFFF;
	s2 =	simm.s32 @!p0 $0x1C02  }
0x26e: {  	[timem:s3], [sflag:s2] =	dma.local @!p0 [hbm:s0], s1  }
0x26f: {  	s0 =	simm.s32 @!p0 $0x2  }
0x270: {  	_ =	swait.ge @!p0 [sflag:s0], s1  }
0x271: {  	s1 =	ssub.s32 @!p0 $0x0, s1;
	[sflag:s0] =	ssyncset.done @!p0 $0x0  }
0x272: {  	[sflag:s0] =	ssyncadd.s32 @!p0 s1  }
0x273: {  	[bflag:$0x3] =	sbarrier.arrive $0xFFFF  }
0x274: {  	_ =	shalt  }

</sc_bundles>
